<compile_context>
chip_gen: v7x
topology: tpu7x:2x2x1
jax: 0.10.2.dev20260603
libtpu: 0.0.44.dev20260713+nightly
codegen_flags: <defaults>
</compile_context>

<pallas_src>
import functools

import jax
import jax.numpy as jnp
from jax import lax
from jax.experimental import pallas as pl
from jax.experimental.pallas import tpu as pltpu
from jax.experimental.pallas import tpu_sc as plsc

_TOPK = 8
_ROWS = 256


def _topk_body(q_ref, k_ref, w_ref, i_ref):
    q = q_ref[...]
    k = k_ref[...]
    dk = q.shape[-1]
    s = lax.dot_general(q, k, (((1,), (1,)), ((), ())),
                        preferred_element_type=jnp.float32)
    s = s / jnp.sqrt(jnp.float32(dk))
    m = jnp.max(s, axis=1, keepdims=True)
    num = jnp.exp(s - m)
    den = jnp.sum(num, axis=1, keepdims=True)
    p = num / den
    n = p.shape[1]
    colf = lax.broadcasted_iota(jnp.int32, p.shape, 1).astype(jnp.float32)
    ws, js = [], []
    work = p
    for _ in range(_TOPK):
        mw = jnp.max(work, axis=1, keepdims=True)
        cand = jnp.where(work == mw, colf, jnp.float32(n))
        jf = jnp.min(cand, axis=1, keepdims=True)
        ws.append(mw)
        js.append(jf)
        work = jnp.where(colf == jf, -1.0, work)
    w_ref[...] = jnp.concatenate(ws, axis=1)
    i_ref[...] = jnp.concatenate(js, axis=1).astype(jnp.int32)


def _topk_tc(query, keys):
    nq, dk = query.shape
    n = keys.shape[0]
    grid = nq // _ROWS
    return pl.pallas_call(
        _topk_body,
        grid=(grid,),
        in_specs=[
            pl.BlockSpec((_ROWS, dk), lambda i: (i, 0)),
            pl.BlockSpec((n, dk), lambda i: (0, 0)),
        ],
        out_specs=[
            pl.BlockSpec((_ROWS, _TOPK), lambda i: (i, 0)),
            pl.BlockSpec((_ROWS, _TOPK), lambda i: (i, 0)),
        ],
        out_shape=[
            jax.ShapeDtypeStruct((nq, _TOPK), jnp.float32),
            jax.ShapeDtypeStruct((nq, _TOPK), jnp.int32),
        ],
    )(query, keys)


def _gather_sc(table, idx, zl, dv):
    v, d = table.shape
    b = idx.shape[0]
    info = plsc.get_sparse_core_info()
    nw = info.num_cores * info.num_subcores
    b_per_w = b // nw
    chunk = 32
    n_chunks = b_per_w // chunk
    mesh = plsc.VectorSubcoreMesh(core_axis_name="c", subcore_axis_name="s")

    @functools.partial(
        pl.kernel, mesh=mesh,
        out_type=jax.ShapeDtypeStruct((b, d), jnp.float32),
        scratch_types=[
            pltpu.VMEM((b_per_w,), jnp.int32),
            pltpu.VMEM((2, chunk, d), jnp.float32),
            pltpu.SemaphoreType.DMA,
            pltpu.SemaphoreType.DMA,
        ],
    )
    def k(table_hbm, idx_hbm, out_hbm, idx_v, rows_v, gsem, ssem):
        wid = lax.axis_index("s") * info.num_cores + lax.axis_index("c")
        base = wid * b_per_w
        pltpu.sync_copy(idx_hbm.at[pl.ds(base, b_per_w)], idx_v)

        def gather_start(c, buf):
            return pltpu.async_copy(
                table_hbm.at[idx_v.at[pl.ds(c * chunk, chunk)]],
                rows_v.at[buf], gsem)

        def scatter_start(c, buf):
            return pltpu.async_copy(
                rows_v.at[buf], out_hbm.at[pl.ds(base + c * chunk, chunk)],
                ssem)

        def halfstep(c, buf):
            s = scatter_start(c, buf)
            gather_start(c + 1, 1 - buf).wait()
            s.wait()

        gather_start(0, 0).wait()

        def body(c, carry):
            halfstep(2 * c, 0)
            halfstep(2 * c + 1, 1)
            return carry

        lax.fori_loop(0, (n_chunks - 1) // 2, body, 0, unroll=False)
        if n_chunks % 2 == 0:
            halfstep(n_chunks - 2, 0)
        scatter_start(n_chunks - 1, (n_chunks - 1) % 2).wait()

    return k(table, idx)


def kernel(query, keys, values):
    v, l, dv = values.shape
    w, i = _topk_tc(query, keys)
    out2d = _gather_sc(values.reshape(v, l * dv), i.reshape(-1), l, dv)
    return w.reshape(-1), out2d.reshape(-1, l, dv)

# --- scband reference (transcript-rebuilt; emitter-appended) ---
"""Pipeline reference for scband-cache-37641093382851 (READ-ONLY COPY).

The authoritative reference and input builder live on the scoring server;
editing this copy changes nothing except your own understanding.
"""

import jax, jax.numpy as jnp
import numpy as np

TOPK = 8

def setup_inputs(seed: int = 0) -> dict:
    key = jax.random.key(seed)
    k1, k2, k3 = jax.random.split(key, 3)
    query = jax.random.normal(k1, (4096, 512), dtype=jnp.float32)
    keys = jax.random.normal(k2, (4096, 512), dtype=jnp.float32)
    values = jax.random.normal(k3, (4096, 20, 64), dtype=jnp.float32)
    return {"query": query, "keys": keys, "values": values}


def reference(query, keys, values):
    # DotProductAttention: scaled dot-product scores between query and cache keys,
    # softmax over the N cache slots -> attention weights [Q, N]
    dk = keys.shape[-1]
    scores = jnp.matmul(query, keys.T) / jnp.sqrt(jnp.asarray(dk, dtype=query.dtype))
    attention = jax.nn.softmax(scores, axis=-1)
    # attention.topk(self.topk)
    topk_weights, topk_indices = jax.lax.top_k(attention, TOPK)
    topk_weights = topk_weights.reshape(-1)
    topk_indices = topk_indices.reshape(-1)
    # torch loop: gather value zones per winning index, concat along dim 0
    # -> equivalent to a batched row-gather of values: [Q*k, L, dv]
    outputs = jnp.take(values, topk_indices, axis=0)
    return (topk_weights, outputs)

if __name__ == "__main__":
    import jax
    _d = setup_inputs()
    print(jax.jit(kernel)(*tuple(_d.values())))

</pallas_src>

<mosaic_0001>
#map = affine_map<(d0, d1) -> (0, 0)>
#map1 = affine_map<(d0, d1) -> (0)>
module attributes {stable_mosaic.version = 14 : i64} {
  func.func @k(%arg0: i32, %arg1: i32, %arg2: memref<4096x1280xf32, #tpu.memory_space<hbm>>, %arg3: memref<32768xi32, #tpu.memory_space<hbm>>, %arg4: memref<32768x1280xf32, #tpu.memory_space<hbm>>, %arg5: memref<1024xi32, #tpu.memory_space<vmem>>, %arg6: memref<2x32x1280xf32, #tpu.memory_space<vmem>>, %arg7: memref<!tpu.dma_semaphore, #tpu.memory_space<semaphore_mem>>, %arg8: memref<!tpu.dma_semaphore, #tpu.memory_space<semaphore_mem>>) attributes {dimension_semantics = [#tpu.dimension_semantics<core_parallel>, #tpu.dimension_semantics<subcore_parallel>], iteration_bounds = array<i64: 2, 16>, scalar_prefetch = 0 : i64, scratch_operands = 4 : i64, tpu.core_type = #tpu.core_type<sc_vector_subcore>, window_params = [{transform_indices = #map}, {transform_indices = #map1}, {transform_indices = #map}]} {
    %mul3A = arith.constant 2 : i32
    %mul3A_0 = arith.muli %arg1, %mul3A : i32
    %add3A = arith.addi %mul3A_0, %arg0 : i32
    %mul3A_1 = arith.constant 1024 : i32
    %mul3A_2 = arith.muli %add3A, %mul3A_1 : i32
    "tpu.region"() ({
      %run_scoped3A = tpu.sem_alloc : memref<!tpu.dma_semaphore, #tpu.memory_space<semaphore_mem>>
      %dma_start3A_102 = tpu.memref_slice %arg3[%mul3A_2] : memref<32768xi32, #tpu.memory_space<hbm>> -> memref<1024xi32, #tpu.memory_space<hbm>>
      %dma_start3A_103 = tpu.memref_slice %arg3[%mul3A_2] : memref<32768xi32, #tpu.memory_space<hbm>> -> memref<1024xi32, #tpu.memory_space<hbm>>
      tpu.enqueue_dma source(%dma_start3A_103 : memref<1024xi32, #tpu.memory_space<hbm>>) target(%arg5 : memref<1024xi32, #tpu.memory_space<vmem>>) target_semaphore(%run_scoped3A : memref<!tpu.dma_semaphore, #tpu.memory_space<semaphore_mem>>)
      %dma_wait3A_104 = tpu.memref_slice %arg3[%mul3A_2] : memref<32768xi32, #tpu.memory_space<hbm>> -> memref<1024xi32, #tpu.memory_space<hbm>>
      %dma_wait3A_105 = tpu.memref_slice %arg3[%mul3A_2] : memref<32768xi32, #tpu.memory_space<hbm>> -> memref<1024xi32, #tpu.memory_space<hbm>>
      tpu.wait_dma2 semaphore(%run_scoped3A : memref<!tpu.dma_semaphore, #tpu.memory_space<semaphore_mem>>) src(%dma_wait3A_105 : memref<1024xi32, #tpu.memory_space<hbm>>) dst(%arg5 : memref<1024xi32, #tpu.memory_space<vmem>>)
      tpu.yield
    }) : () -> ()
    %dma_start3A = arith.constant 0 : i32
    %dma_start3A_3 = arith.constant 0 : i32
    %dma_start3A_4 = arith.constant 0 : i32
    %dma_start3A_5 = tpu.memref_slice %arg6[%dma_start3A, %dma_start3A_3, %dma_start3A_4] : memref<2x32x1280xf32, #tpu.memory_space<vmem>> -> memref<1x32x1280xf32, #tpu.memory_space<vmem>>
    %dma_start3A_6 = tpu.memref_squeeze %dma_start3A_5 : memref<1x32x1280xf32, #tpu.memory_space<vmem>> -> memref<32x1280xf32, #tpu.memory_space<vmem>>
    %dma_start3A_7 = arith.constant 0 : i32
    %dma_start3A_8 = tpu.memref_slice %arg5[%dma_start3A_7] : memref<1024xi32, #tpu.memory_space<vmem>> -> memref<32xi32, #tpu.memory_space<vmem>>
    %dma_start3A_9 = arith.constant 0 : i32
    %dma_start3A_10 = arith.constant 0 : i32
    %dma_start3A_11 = tpu.memref_slice %arg2[%dma_start3A_9, %dma_start3A_10] : memref<4096x1280xf32, #tpu.memory_space<hbm>> -> memref<4096x1280xf32, #tpu.memory_space<hbm>>
    tpu.enqueue_indirect_dma source(%dma_start3A_11 : memref<4096x1280xf32, #tpu.memory_space<hbm>>) target(%dma_start3A_6 : memref<32x1280xf32, #tpu.memory_space<vmem>>) offsets(%dma_start3A_8 : memref<32xi32, #tpu.memory_space<vmem>>) semaphore(%arg7 : memref<!tpu.dma_semaphore, #tpu.memory_space<semaphore_mem>>)
    %dma_wait3A = arith.constant 0 : i32
    %dma_wait3A_12 = arith.constant 0 : i32
    %dma_wait3A_13 = arith.constant 0 : i32
    %dma_wait3A_14 = tpu.memref_slice %arg6[%dma_wait3A, %dma_wait3A_12, %dma_wait3A_13] : memref<2x32x1280xf32, #tpu.memory_space<vmem>> -> memref<1x32x1280xf32, #tpu.memory_space<vmem>>
    %dma_wait3A_15 = tpu.memref_squeeze %dma_wait3A_14 : memref<1x32x1280xf32, #tpu.memory_space<vmem>> -> memref<32x1280xf32, #tpu.memory_space<vmem>>
    %dma_wait3A_16 = arith.constant 0 : i32
    %dma_wait3A_17 = tpu.memref_slice %arg5[%dma_wait3A_16] : memref<1024xi32, #tpu.memory_space<vmem>> -> memref<32xi32, #tpu.memory_space<vmem>>
    %dma_wait3A_18 = arith.constant 0 : i32
    %dma_wait3A_19 = arith.constant 0 : i32
    %dma_wait3A_20 = tpu.memref_slice %arg2[%dma_wait3A_18, %dma_wait3A_19] : memref<4096x1280xf32, #tpu.memory_space<hbm>> -> memref<4096x1280xf32, #tpu.memory_space<hbm>>
    tpu.wait_indirect_dma semaphore(%arg7 : memref<!tpu.dma_semaphore, #tpu.memory_space<semaphore_mem>>) src(%dma_wait3A_20 : memref<4096x1280xf32, #tpu.memory_space<hbm>>) dst(%dma_wait3A_15 : memref<32x1280xf32, #tpu.memory_space<vmem>>)
    %scan3A = arith.constant 0 : i32
    %scan3A_21 = arith.constant 0 : i32
    %scan3A_22 = arith.constant 15 : i32
    %scan3A_23 = arith.addi %scan3A_21, %scan3A_22 : i32
    %scan3A_24 = arith.constant 1 : i32
    scf.for %scan3A_102 = %scan3A_21 to %scan3A_23 step %scan3A_24  : i32 {
      %mul3A_103 = arith.constant 2 : i32
      %mul3A_104 = arith.muli %mul3A_103, %scan3A_102 : i32
      %mul3A_105 = arith.constant 32 : i32
      %mul3A_106 = arith.muli %mul3A_104, %mul3A_105 : i32
      %add3A_107 = arith.addi %mul3A_2, %mul3A_106 : i32
      %dma_start3A_108 = arith.constant 0 : i32
      %dma_start3A_109 = arith.constant 0 : i32
      %dma_start3A_110 = arith.constant 0 : i32
      %dma_start3A_111 = tpu.memref_slice %arg6[%dma_start3A_108, %dma_start3A_109, %dma_start3A_110] : memref<2x32x1280xf32, #tpu.memory_space<vmem>> -> memref<1x32x1280xf32, #tpu.memory_space<vmem>>
      %dma_start3A_112 = tpu.memref_squeeze %dma_start3A_111 : memref<1x32x1280xf32, #tpu.memory_space<vmem>> -> memref<32x1280xf32, #tpu.memory_space<vmem>>
      %dma_start3A_113 = arith.constant 0 : i32
      %dma_start3A_114 = tpu.memref_slice %arg4[%add3A_107, %dma_start3A_113] : memref<32768x1280xf32, #tpu.memory_space<hbm>> -> memref<32x1280xf32, #tpu.memory_space<hbm>>
      %dma_start3A_115 = arith.constant 0 : i32
      %dma_start3A_116 = tpu.memref_slice %arg4[%add3A_107, %dma_start3A_115] : memref<32768x1280xf32, #tpu.memory_space<hbm>> -> memref<32x1280xf32, #tpu.memory_space<hbm>>
      %dma_start3A_117 = arith.constant 0 : i32
      %dma_start3A_118 = arith.constant 0 : i32
      %dma_start3A_119 = tpu.memref_slice %arg6[%dma_start3A_108, %dma_start3A_117, %dma_start3A_118] : memref<2x32x1280xf32, #tpu.memory_space<vmem>> -> memref<1x32x1280xf32, #tpu.memory_space<vmem>>
      %dma_start3A_120 = tpu.memref_squeeze %dma_start3A_119 : memref<1x32x1280xf32, #tpu.memory_space<vmem>> -> memref<32x1280xf32, #tpu.memory_space<vmem>>
      tpu.enqueue_dma source(%dma_start3A_120 : memref<32x1280xf32, #tpu.memory_space<vmem>>) target(%dma_start3A_116 : memref<32x1280xf32, #tpu.memory_space<hbm>>) target_semaphore(%arg8 : memref<!tpu.dma_semaphore, #tpu.memory_space<semaphore_mem>>)
      %add3A_121 = arith.constant 1 : i32
      %add3A_122 = arith.addi %mul3A_104, %add3A_121 : i32
      %mul3A_123 = arith.constant 32 : i32
      %mul3A_124 = arith.muli %add3A_122, %mul3A_123 : i32
      %dma_start3A_125 = arith.constant 1 : i32
      %dma_start3A_126 = arith.constant 0 : i32
      %dma_start3A_127 = arith.constant 0 : i32
      %dma_start3A_128 = tpu.memref_slice %arg6[%dma_start3A_125, %dma_start3A_126, %dma_start3A_127] : memref<2x32x1280xf32, #tpu.memory_space<vmem>> -> memref<1x32x1280xf32, #tpu.memory_space<vmem>>
      %dma_start3A_129 = tpu.memref_squeeze %dma_start3A_128 : memref<1x32x1280xf32, #tpu.memory_space<vmem>> -> memref<32x1280xf32, #tpu.memory_space<vmem>>
      %dma_start3A_130 = tpu.memref_slice %arg5[%mul3A_124] : memref<1024xi32, #tpu.memory_space<vmem>> -> memref<32xi32, #tpu.memory_space<vmem>>
      %dma_start3A_131 = arith.constant 0 : i32
      %dma_start3A_132 = arith.constant 0 : i32
      %dma_start3A_133 = tpu.memref_slice %arg2[%dma_start3A_131, %dma_start3A_132] : memref<4096x1280xf32, #tpu.memory_space<hbm>> -> memref<4096x1280xf32, #tpu.memory_space<hbm>>
      tpu.enqueue_indirect_dma source(%dma_start3A_133 : memref<4096x1280xf32, #tpu.memory_space<hbm>>) target(%dma_start3A_129 : memref<32x1280xf32, #tpu.memory_space<vmem>>) offsets(%dma_start3A_130 : memref<32xi32, #tpu.memory_space<vmem>>) semaphore(%arg7 : memref<!tpu.dma_semaphore, #tpu.memory_space<semaphore_mem>>)
      %dma_wait3A_134 = arith.constant 1 : i32
      %dma_wait3A_135 = arith.constant 0 : i32
      %dma_wait3A_136 = arith.constant 0 : i32
      %dma_wait3A_137 = tpu.memref_slice %arg6[%dma_wait3A_134, %dma_wait3A_135, %dma_wait3A_136] : memref<2x32x1280xf32, #tpu.memory_space<vmem>> -> memref<1x32x1280xf32, #tpu.memory_space<vmem>>
      %dma_wait3A_138 = tpu.memref_squeeze %dma_wait3A_137 : memref<1x32x1280xf32, #tpu.memory_space<vmem>> -> memref<32x1280xf32, #tpu.memory_space<vmem>>
      %dma_wait3A_139 = tpu.memref_slice %arg5[%mul3A_124] : memref<1024xi32, #tpu.memory_space<vmem>> -> memref<32xi32, #tpu.memory_space<vmem>>
      %dma_wait3A_140 = arith.constant 0 : i32
      %dma_wait3A_141 = arith.constant 0 : i32
      %dma_wait3A_142 = tpu.memref_slice %arg2[%dma_wait3A_140, %dma_wait3A_141] : memref<4096x1280xf32, #tpu.memory_space<hbm>> -> memref<4096x1280xf32, #tpu.memory_space<hbm>>
      tpu.wait_indirect_dma semaphore(%arg7 : memref<!tpu.dma_semaphore, #tpu.memory_space<semaphore_mem>>) src(%dma_wait3A_142 : memref<4096x1280xf32, #tpu.memory_space<hbm>>) dst(%dma_wait3A_138 : memref<32x1280xf32, #tpu.memory_space<vmem>>)
      %dma_wait3A_143 = arith.constant 0 : i32
      %dma_wait3A_144 = arith.constant 0 : i32
      %dma_wait3A_145 = arith.constant 0 : i32
      %dma_wait3A_146 = tpu.memref_slice %arg6[%dma_wait3A_143, %dma_wait3A_144, %dma_wait3A_145] : memref<2x32x1280xf32, #tpu.memory_space<vmem>> -> memref<1x32x1280xf32, #tpu.memory_space<vmem>>
      %dma_wait3A_147 = tpu.memref_squeeze %dma_wait3A_146 : memref<1x32x1280xf32, #tpu.memory_space<vmem>> -> memref<32x1280xf32, #tpu.memory_space<vmem>>
      %dma_wait3A_148 = arith.constant 0 : i32
      %dma_wait3A_149 = tpu.memref_slice %arg4[%add3A_107, %dma_wait3A_148] : memref<32768x1280xf32, #tpu.memory_space<hbm>> -> memref<32x1280xf32, #tpu.memory_space<hbm>>
      %dma_wait3A_150 = arith.constant 0 : i32
      %dma_wait3A_151 = tpu.memref_slice %arg4[%add3A_107, %dma_wait3A_150] : memref<32768x1280xf32, #tpu.memory_space<hbm>> -> memref<32x1280xf32, #tpu.memory_space<hbm>>
      %dma_wait3A_152 = arith.constant 0 : i32
      %dma_wait3A_153 = arith.constant 0 : i32
      %dma_wait3A_154 = tpu.memref_slice %arg6[%dma_wait3A_143, %dma_wait3A_152, %dma_wait3A_153] : memref<2x32x1280xf32, #tpu.memory_space<vmem>> -> memref<1x32x1280xf32, #tpu.memory_space<vmem>>
      %dma_wait3A_155 = tpu.memref_squeeze %dma_wait3A_154 : memref<1x32x1280xf32, #tpu.memory_space<vmem>> -> memref<32x1280xf32, #tpu.memory_space<vmem>>
      tpu.wait_dma2 semaphore(%arg8 : memref<!tpu.dma_semaphore, #tpu.memory_space<semaphore_mem>>) src(%dma_wait3A_155 : memref<32x1280xf32, #tpu.memory_space<vmem>>) dst(%dma_wait3A_151 : memref<32x1280xf32, #tpu.memory_space<hbm>>)
      %mul3A_156 = arith.constant 2 : i32
      %mul3A_157 = arith.muli %mul3A_156, %scan3A_102 : i32
      %add3A_158 = arith.constant 1 : i32
      %add3A_159 = arith.addi %mul3A_157, %add3A_158 : i32
      %mul3A_160 = arith.constant 32 : i32
      %mul3A_161 = arith.muli %add3A_159, %mul3A_160 : i32
      %add3A_162 = arith.addi %mul3A_2, %mul3A_161 : i32
      %dma_start3A_163 = arith.constant 1 : i32
      %dma_start3A_164 = arith.constant 0 : i32
      %dma_start3A_165 = arith.constant 0 : i32
      %dma_start3A_166 = tpu.memref_slice %arg6[%dma_start3A_163, %dma_start3A_164, %dma_start3A_165] : memref<2x32x1280xf32, #tpu.memory_space<vmem>> -> memref<1x32x1280xf32, #tpu.memory_space<vmem>>
      %dma_start3A_167 = tpu.memref_squeeze %dma_start3A_166 : memref<1x32x1280xf32, #tpu.memory_space<vmem>> -> memref<32x1280xf32, #tpu.memory_space<vmem>>
      %dma_start3A_168 = arith.constant 0 : i32
      %dma_start3A_169 = tpu.memref_slice %arg4[%add3A_162, %dma_start3A_168] : memref<32768x1280xf32, #tpu.memory_space<hbm>> -> memref<32x1280xf32, #tpu.memory_space<hbm>>
      %dma_start3A_170 = arith.constant 0 : i32
      %dma_start3A_171 = tpu.memref_slice %arg4[%add3A_162, %dma_start3A_170] : memref<32768x1280xf32, #tpu.memory_space<hbm>> -> memref<32x1280xf32, #tpu.memory_space<hbm>>
      %dma_start3A_172 = arith.constant 0 : i32
      %dma_start3A_173 = arith.constant 0 : i32
      %dma_start3A_174 = tpu.memref_slice %arg6[%dma_start3A_163, %dma_start3A_172, %dma_start3A_173] : memref<2x32x1280xf32, #tpu.memory_space<vmem>> -> memref<1x32x1280xf32, #tpu.memory_space<vmem>>
      %dma_start3A_175 = tpu.memref_squeeze %dma_start3A_174 : memref<1x32x1280xf32, #tpu.memory_space<vmem>> -> memref<32x1280xf32, #tpu.memory_space<vmem>>
      tpu.enqueue_dma source(%dma_start3A_175 : memref<32x1280xf32, #tpu.memory_space<vmem>>) target(%dma_start3A_171 : memref<32x1280xf32, #tpu.memory_space<hbm>>) target_semaphore(%arg8 : memref<!tpu.dma_semaphore, #tpu.memory_space<semaphore_mem>>)
      %add3A_176 = arith.constant 1 : i32
      %add3A_177 = arith.addi %add3A_159, %add3A_176 : i32
      %mul3A_178 = arith.constant 32 : i32
      %mul3A_179 = arith.muli %add3A_177, %mul3A_178 : i32
      %dma_start3A_180 = arith.constant 0 : i32
      %dma_start3A_181 = arith.constant 0 : i32
      %dma_start3A_182 = arith.constant 0 : i32
      %dma_start3A_183 = tpu.memref_slice %arg6[%dma_start3A_180, %dma_start3A_181, %dma_start3A_182] : memref<2x32x1280xf32, #tpu.memory_space<vmem>> -> memref<1x32x1280xf32, #tpu.memory_space<vmem>>
      %dma_start3A_184 = tpu.memref_squeeze %dma_start3A_183 : memref<1x32x1280xf32, #tpu.memory_space<vmem>> -> memref<32x1280xf32, #tpu.memory_space<vmem>>
      %dma_start3A_185 = tpu.memref_slice %arg5[%mul3A_179] : memref<1024xi32, #tpu.memory_space<vmem>> -> memref<32xi32, #tpu.memory_space<vmem>>
      %dma_start3A_186 = arith.constant 0 : i32
      %dma_start3A_187 = arith.constant 0 : i32
      %dma_start3A_188 = tpu.memref_slice %arg2[%dma_start3A_186, %dma_start3A_187] : memref<4096x1280xf32, #tpu.memory_space<hbm>> -> memref<4096x1280xf32, #tpu.memory_space<hbm>>
      tpu.enqueue_indirect_dma source(%dma_start3A_188 : memref<4096x1280xf32, #tpu.memory_space<hbm>>) target(%dma_start3A_184 : memref<32x1280xf32, #tpu.memory_space<vmem>>) offsets(%dma_start3A_185 : memref<32xi32, #tpu.memory_space<vmem>>) semaphore(%arg7 : memref<!tpu.dma_semaphore, #tpu.memory_space<semaphore_mem>>)
      %dma_wait3A_189 = arith.constant 0 : i32
      %dma_wait3A_190 = arith.constant 0 : i32
      %dma_wait3A_191 = arith.constant 0 : i32
      %dma_wait3A_192 = tpu.memref_slice %arg6[%dma_wait3A_189, %dma_wait3A_190, %dma_wait3A_191] : memref<2x32x1280xf32, #tpu.memory_space<vmem>> -> memref<1x32x1280xf32, #tpu.memory_space<vmem>>
      %dma_wait3A_193 = tpu.memref_squeeze %dma_wait3A_192 : memref<1x32x1280xf32, #tpu.memory_space<vmem>> -> memref<32x1280xf32, #tpu.memory_space<vmem>>
      %dma_wait3A_194 = tpu.memref_slice %arg5[%mul3A_179] : memref<1024xi32, #tpu.memory_space<vmem>> -> memref<32xi32, #tpu.memory_space<vmem>>
      %dma_wait3A_195 = arith.constant 0 : i32
      %dma_wait3A_196 = arith.constant 0 : i32
      %dma_wait3A_197 = tpu.memref_slice %arg2[%dma_wait3A_195, %dma_wait3A_196] : memref<4096x1280xf32, #tpu.memory_space<hbm>> -> memref<4096x1280xf32, #tpu.memory_space<hbm>>
      tpu.wait_indirect_dma semaphore(%arg7 : memref<!tpu.dma_semaphore, #tpu.memory_space<semaphore_mem>>) src(%dma_wait3A_197 : memref<4096x1280xf32, #tpu.memory_space<hbm>>) dst(%dma_wait3A_193 : memref<32x1280xf32, #tpu.memory_space<vmem>>)
      %dma_wait3A_198 = arith.constant 1 : i32
      %dma_wait3A_199 = arith.constant 0 : i32
      %dma_wait3A_200 = arith.constant 0 : i32
      %dma_wait3A_201 = tpu.memref_slice %arg6[%dma_wait3A_198, %dma_wait3A_199, %dma_wait3A_200] : memref<2x32x1280xf32, #tpu.memory_space<vmem>> -> memref<1x32x1280xf32, #tpu.memory_space<vmem>>
      %dma_wait3A_202 = tpu.memref_squeeze %dma_wait3A_201 : memref<1x32x1280xf32, #tpu.memory_space<vmem>> -> memref<32x1280xf32, #tpu.memory_space<vmem>>
      %dma_wait3A_203 = arith.constant 0 : i32
      %dma_wait3A_204 = tpu.memref_slice %arg4[%add3A_162, %dma_wait3A_203] : memref<32768x1280xf32, #tpu.memory_space<hbm>> -> memref<32x1280xf32, #tpu.memory_space<hbm>>
      %dma_wait3A_205 = arith.constant 0 : i32
      %dma_wait3A_206 = tpu.memref_slice %arg4[%add3A_162, %dma_wait3A_205] : memref<32768x1280xf32, #tpu.memory_space<hbm>> -> memref<32x1280xf32, #tpu.memory_space<hbm>>
      %dma_wait3A_207 = arith.constant 0 : i32
      %dma_wait3A_208 = arith.constant 0 : i32
      %dma_wait3A_209 = tpu.memref_slice %arg6[%dma_wait3A_198, %dma_wait3A_207, %dma_wait3A_208] : memref<2x32x1280xf32, #tpu.memory_space<vmem>> -> memref<1x32x1280xf32, #tpu.memory_space<vmem>>
      %dma_wait3A_210 = tpu.memref_squeeze %dma_wait3A_209 : memref<1x32x1280xf32, #tpu.memory_space<vmem>> -> memref<32x1280xf32, #tpu.memory_space<vmem>>
      tpu.wait_dma2 semaphore(%arg8 : memref<!tpu.dma_semaphore, #tpu.memory_space<semaphore_mem>>) src(%dma_wait3A_210 : memref<32x1280xf32, #tpu.memory_space<vmem>>) dst(%dma_wait3A_206 : memref<32x1280xf32, #tpu.memory_space<hbm>>)
    }
    %scan3A_25 = arith.constant 15 : i32
    %add3A_26 = arith.constant 960 : i32
    %add3A_27 = arith.addi %mul3A_2, %add3A_26 : i32
    %dma_start3A_28 = arith.constant 0 : i32
    %dma_start3A_29 = arith.constant 0 : i32
    %dma_start3A_30 = arith.constant 0 : i32
    %dma_start3A_31 = tpu.memref_slice %arg6[%dma_start3A_28, %dma_start3A_29, %dma_start3A_30] : memref<2x32x1280xf32, #tpu.memory_space<vmem>> -> memref<1x32x1280xf32, #tpu.memory_space<vmem>>
    %dma_start3A_32 = tpu.memref_squeeze %dma_start3A_31 : memref<1x32x1280xf32, #tpu.memory_space<vmem>> -> memref<32x1280xf32, #tpu.memory_space<vmem>>
    %dma_start3A_33 = arith.constant 0 : i32
    %dma_start3A_34 = tpu.memref_slice %arg4[%add3A_27, %dma_start3A_33] : memref<32768x1280xf32, #tpu.memory_space<hbm>> -> memref<32x1280xf32, #tpu.memory_space<hbm>>
    %dma_start3A_35 = arith.constant 0 : i32
    %dma_start3A_36 = tpu.memref_slice %arg4[%add3A_27, %dma_start3A_35] : memref<32768x1280xf32, #tpu.memory_space<hbm>> -> memref<32x1280xf32, #tpu.memory_space<hbm>>
    %dma_start3A_37 = arith.constant 0 : i32
    %dma_start3A_38 = arith.constant 0 : i32
    %dma_start3A_39 = tpu.memref_slice %arg6[%dma_start3A_28, %dma_start3A_37, %dma_start3A_38] : memref<2x32x1280xf32, #tpu.memory_space<vmem>> -> memref<1x32x1280xf32, #tpu.memory_space<vmem>>
    %dma_start3A_40 = tpu.memref_squeeze %dma_start3A_39 : memref<1x32x1280xf32, #tpu.memory_space<vmem>> -> memref<32x1280xf32, #tpu.memory_space<vmem>>
    tpu.enqueue_dma source(%dma_start3A_40 : memref<32x1280xf32, #tpu.memory_space<vmem>>) target(%dma_start3A_36 : memref<32x1280xf32, #tpu.memory_space<hbm>>) target_semaphore(%arg8 : memref<!tpu.dma_semaphore, #tpu.memory_space<semaphore_mem>>)
    %dma_start3A_41 = arith.constant 1 : i32
    %dma_start3A_42 = arith.constant 0 : i32
    %dma_start3A_43 = arith.constant 0 : i32
    %dma_start3A_44 = tpu.memref_slice %arg6[%dma_start3A_41, %dma_start3A_42, %dma_start3A_43] : memref<2x32x1280xf32, #tpu.memory_space<vmem>> -> memref<1x32x1280xf32, #tpu.memory_space<vmem>>
    %dma_start3A_45 = tpu.memref_squeeze %dma_start3A_44 : memref<1x32x1280xf32, #tpu.memory_space<vmem>> -> memref<32x1280xf32, #tpu.memory_space<vmem>>
    %dma_start3A_46 = arith.constant 992 : i32
    %dma_start3A_47 = tpu.memref_slice %arg5[%dma_start3A_46] : memref<1024xi32, #tpu.memory_space<vmem>> -> memref<32xi32, #tpu.memory_space<vmem>>
    %dma_start3A_48 = arith.constant 0 : i32
    %dma_start3A_49 = arith.constant 0 : i32
    %dma_start3A_50 = tpu.memref_slice %arg2[%dma_start3A_48, %dma_start3A_49] : memref<4096x1280xf32, #tpu.memory_space<hbm>> -> memref<4096x1280xf32, #tpu.memory_space<hbm>>
    tpu.enqueue_indirect_dma source(%dma_start3A_50 : memref<4096x1280xf32, #tpu.memory_space<hbm>>) target(%dma_start3A_45 : memref<32x1280xf32, #tpu.memory_space<vmem>>) offsets(%dma_start3A_47 : memref<32xi32, #tpu.memory_space<vmem>>) semaphore(%arg7 : memref<!tpu.dma_semaphore, #tpu.memory_space<semaphore_mem>>)
    %dma_wait3A_51 = arith.constant 1 : i32
    %dma_wait3A_52 = arith.constant 0 : i32
    %dma_wait3A_53 = arith.constant 0 : i32
    %dma_wait3A_54 = tpu.memref_slice %arg6[%dma_wait3A_51, %dma_wait3A_52, %dma_wait3A_53] : memref<2x32x1280xf32, #tpu.memory_space<vmem>> -> memref<1x32x1280xf32, #tpu.memory_space<vmem>>
    %dma_wait3A_55 = tpu.memref_squeeze %dma_wait3A_54 : memref<1x32x1280xf32, #tpu.memory_space<vmem>> -> memref<32x1280xf32, #tpu.memory_space<vmem>>
    %dma_wait3A_56 = arith.constant 992 : i32
    %dma_wait3A_57 = tpu.memref_slice %arg5[%dma_wait3A_56] : memref<1024xi32, #tpu.memory_space<vmem>> -> memref<32xi32, #tpu.memory_space<vmem>>
    %dma_wait3A_58 = arith.constant 0 : i32
    %dma_wait3A_59 = arith.constant 0 : i32
    %dma_wait3A_60 = tpu.memref_slice %arg2[%dma_wait3A_58, %dma_wait3A_59] : memref<4096x1280xf32, #tpu.memory_space<hbm>> -> memref<4096x1280xf32, #tpu.memory_space<hbm>>
    tpu.wait_indirect_dma semaphore(%arg7 : memref<!tpu.dma_semaphore, #tpu.memory_space<semaphore_mem>>) src(%dma_wait3A_60 : memref<4096x1280xf32, #tpu.memory_space<hbm>>) dst(%dma_wait3A_55 : memref<32x1280xf32, #tpu.memory_space<vmem>>)
    %dma_wait3A_61 = arith.constant 0 : i32
    %dma_wait3A_62 = arith.constant 0 : i32
    %dma_wait3A_63 = arith.constant 0 : i32
    %dma_wait3A_64 = tpu.memref_slice %arg6[%dma_wait3A_61, %dma_wait3A_62, %dma_wait3A_63] : memref<2x32x1280xf32, #tpu.memory_space<vmem>> -> memref<1x32x1280xf32, #tpu.memory_space<vmem>>
    %dma_wait3A_65 = tpu.memref_squeeze %dma_wait3A_64 : memref<1x32x1280xf32, #tpu.memory_space<vmem>> -> memref<32x1280xf32, #tpu.memory_space<vmem>>
    %dma_wait3A_66 = arith.constant 0 : i32
    %dma_wait3A_67 = tpu.memref_slice %arg4[%add3A_27, %dma_wait3A_66] : memref<32768x1280xf32, #tpu.memory_space<hbm>> -> memref<32x1280xf32, #tpu.memory_space<hbm>>
    %dma_wait3A_68 = arith.constant 0 : i32
    %dma_wait3A_69 = tpu.memref_slice %arg4[%add3A_27, %dma_wait3A_68] : memref<32768x1280xf32, #tpu.memory_space<hbm>> -> memref<32x1280xf32, #tpu.memory_space<hbm>>
    %dma_wait3A_70 = arith.constant 0 : i32
    %dma_wait3A_71 = arith.constant 0 : i32
    %dma_wait3A_72 = tpu.memref_slice %arg6[%dma_wait3A_61, %dma_wait3A_70, %dma_wait3A_71] : memref<2x32x1280xf32, #tpu.memory_space<vmem>> -> memref<1x32x1280xf32, #tpu.memory_space<vmem>>
    %dma_wait3A_73 = tpu.memref_squeeze %dma_wait3A_72 : memref<1x32x1280xf32, #tpu.memory_space<vmem>> -> memref<32x1280xf32, #tpu.memory_space<vmem>>
    tpu.wait_dma2 semaphore(%arg8 : memref<!tpu.dma_semaphore, #tpu.memory_space<semaphore_mem>>) src(%dma_wait3A_73 : memref<32x1280xf32, #tpu.memory_space<vmem>>) dst(%dma_wait3A_69 : memref<32x1280xf32, #tpu.memory_space<hbm>>)
    %add3A_74 = arith.constant 992 : i32
    %add3A_75 = arith.addi %mul3A_2, %add3A_74 : i32
    %dma_start3A_76 = arith.constant 1 : i32
    %dma_start3A_77 = arith.constant 0 : i32
    %dma_start3A_78 = arith.constant 0 : i32
    %dma_start3A_79 = tpu.memref_slice %arg6[%dma_start3A_76, %dma_start3A_77, %dma_start3A_78] : memref<2x32x1280xf32, #tpu.memory_space<vmem>> -> memref<1x32x1280xf32, #tpu.memory_space<vmem>>
    %dma_start3A_80 = tpu.memref_squeeze %dma_start3A_79 : memref<1x32x1280xf32, #tpu.memory_space<vmem>> -> memref<32x1280xf32, #tpu.memory_space<vmem>>
    %dma_start3A_81 = arith.constant 0 : i32
    %dma_start3A_82 = tpu.memref_slice %arg4[%add3A_75, %dma_start3A_81] : memref<32768x1280xf32, #tpu.memory_space<hbm>> -> memref<32x1280xf32, #tpu.memory_space<hbm>>
    %dma_start3A_83 = arith.constant 0 : i32
    %dma_start3A_84 = tpu.memref_slice %arg4[%add3A_75, %dma_start3A_83] : memref<32768x1280xf32, #tpu.memory_space<hbm>> -> memref<32x1280xf32, #tpu.memory_space<hbm>>
    %dma_start3A_85 = arith.constant 0 : i32
    %dma_start3A_86 = arith.constant 0 : i32
    %dma_start3A_87 = tpu.memref_slice %arg6[%dma_start3A_76, %dma_start3A_85, %dma_start3A_86] : memref<2x32x1280xf32, #tpu.memory_space<vmem>> -> memref<1x32x1280xf32, #tpu.memory_space<vmem>>
    %dma_start3A_88 = tpu.memref_squeeze %dma_start3A_87 : memref<1x32x1280xf32, #tpu.memory_space<vmem>> -> memref<32x1280xf32, #tpu.memory_space<vmem>>
    tpu.enqueue_dma source(%dma_start3A_88 : memref<32x1280xf32, #tpu.memory_space<vmem>>) target(%dma_start3A_84 : memref<32x1280xf32, #tpu.memory_space<hbm>>) target_semaphore(%arg8 : memref<!tpu.dma_semaphore, #tpu.memory_space<semaphore_mem>>)
    %dma_wait3A_89 = arith.constant 1 : i32
    %dma_wait3A_90 = arith.constant 0 : i32
    %dma_wait3A_91 = arith.constant 0 : i32
    %dma_wait3A_92 = tpu.memref_slice %arg6[%dma_wait3A_89, %dma_wait3A_90, %dma_wait3A_91] : memref<2x32x1280xf32, #tpu.memory_space<vmem>> -> memref<1x32x1280xf32, #tpu.memory_space<vmem>>
    %dma_wait3A_93 = tpu.memref_squeeze %dma_wait3A_92 : memref<1x32x1280xf32, #tpu.memory_space<vmem>> -> memref<32x1280xf32, #tpu.memory_space<vmem>>
    %dma_wait3A_94 = arith.constant 0 : i32
    %dma_wait3A_95 = tpu.memref_slice %arg4[%add3A_75, %dma_wait3A_94] : memref<32768x1280xf32, #tpu.memory_space<hbm>> -> memref<32x1280xf32, #tpu.memory_space<hbm>>
    %dma_wait3A_96 = arith.constant 0 : i32
    %dma_wait3A_97 = tpu.memref_slice %arg4[%add3A_75, %dma_wait3A_96] : memref<32768x1280xf32, #tpu.memory_space<hbm>> -> memref<32x1280xf32, #tpu.memory_space<hbm>>
    %dma_wait3A_98 = arith.constant 0 : i32
    %dma_wait3A_99 = arith.constant 0 : i32
    %dma_wait3A_100 = tpu.memref_slice %arg6[%dma_wait3A_89, %dma_wait3A_98, %dma_wait3A_99] : memref<2x32x1280xf32, #tpu.memory_space<vmem>> -> memref<1x32x1280xf32, #tpu.memory_space<vmem>>
    %dma_wait3A_101 = tpu.memref_squeeze %dma_wait3A_100 : memref<1x32x1280xf32, #tpu.memory_space<vmem>> -> memref<32x1280xf32, #tpu.memory_space<vmem>>
    tpu.wait_dma2 semaphore(%arg8 : memref<!tpu.dma_semaphore, #tpu.memory_space<semaphore_mem>>) src(%dma_wait3A_101 : memref<32x1280xf32, #tpu.memory_space<vmem>>) dst(%dma_wait3A_97 : memref<32x1280xf32, #tpu.memory_space<hbm>>)
    return
  }
}

module attributes {stable_mosaic.version = 14 : i64} {
  func.func @_topk_body(%arg0: i32, %arg1: memref<256x512xf32, #tpu.memory_space<vmem>>, %arg2: memref<4096x512xf32, #tpu.memory_space<vmem>>, %arg3: memref<256x8xf32, #tpu.memory_space<vmem>>, %arg4: memref<256x8xi32, #tpu.memory_space<vmem>>) attributes {dimension_semantics = [#tpu.dimension_semantics<arbitrary>], iteration_bounds = array<i64: 16>, scalar_prefetch = 0 : i64, scratch_operands = 0 : i64, tpu.core_type = #tpu.core_type<tc>, window_params = [{transform_indices = @transform_0, window_bounds = array<i64: 256, 512>}, {pipeline_mode = #tpu.pipeline_mode<synchronous>, transform_indices = @transform_1, window_bounds = array<i64: 4096, 512>}, {transform_indices = @transform_2, window_bounds = array<i64: 256, 8>}, {transform_indices = @transform_3, window_bounds = array<i64: 256, 8>}]} {
    %get3A = arith.constant 0 : index
    %get3A_0 = arith.constant 0 : index
    %get3A_1 = vector.load %arg1[%get3A, %get3A_0] : memref<256x512xf32, #tpu.memory_space<vmem>>, vector<256x512xf32>
    %get3A_2 = arith.constant 0 : index
    %get3A_3 = arith.constant 0 : index
    %get3A_4 = vector.load %arg2[%get3A_2, %get3A_3] : memref<4096x512xf32, #tpu.memory_space<vmem>>, vector<4096x512xf32>
    %dot_general3A = arith.constant dense<0.000000e+00> : vector<256x4096xf32>
    %dot_general3A_5 = tpu.matmul %get3A_1, %get3A_4, %dot_general3A {dimension_numbers = #tpu.dot_dimension_numbers<[1], [1], [0], [0], [0, 0, 1, 0], [], []>, transpose_lhs_hint = false} : vector<256x512xf32>, vector<4096x512xf32>, vector<256x4096xf32> -> vector<256x4096xf32>
    %sqrt3A = arith.constant 5.120000e+02 : f32
    %sqrt3A_6 = math.sqrt %sqrt3A : f32
    %div3A = vector.broadcast %sqrt3A_6 : f32 to vector<256x4096xf32>
    %div3A_7 = arith.divf %dot_general3A_5, %div3A : vector<256x4096xf32>
    %reduce_max3A = arith.constant dense<0xFF800000> : vector<256xf32>
    %reduce_max3A_8 = vector.multi_reduction <maximumf>, %div3A_7, %reduce_max3A [1] : vector<256x4096xf32> to vector<256xf32>
    %broadcast_in_dim3A = vector.shape_cast %reduce_max3A_8 : vector<256xf32> to vector<256x1xf32>
    %sub3A = vector.broadcast %broadcast_in_dim3A : vector<256x1xf32> to vector<256x4096xf32>
    %sub3A_9 = arith.subf %div3A_7, %sub3A : vector<256x4096xf32>
    %exp3A = math.exp %sub3A_9 : vector<256x4096xf32>
    %reduce_sum3A = arith.constant dense<0.000000e+00> : vector<256xf32>
    %reduce_sum3A_10 = vector.multi_reduction <add>, %exp3A, %reduce_sum3A [1] : vector<256x4096xf32> to vector<256xf32>
    %broadcast_in_dim3A_11 = vector.shape_cast %reduce_sum3A_10 : vector<256xf32> to vector<256x1xf32>
    %div3A_12 = vector.broadcast %broadcast_in_dim3A_11 : vector<256x1xf32> to vector<256x4096xf32>
    %div3A_13 = arith.divf %exp3A, %div3A_12 : vector<256x4096xf32>
    %iota3A = tpu.iota {dimensions = array<i32: 1>} : vector<256x4096xi32>
    %convert_element_type3A = arith.sitofp %iota3A : vector<256x4096xi32> to vector<256x4096xf32>
    %reduce_max3A_14 = arith.constant dense<0xFF800000> : vector<256xf32>
    %reduce_max3A_15 = vector.multi_reduction <maximumf>, %div3A_13, %reduce_max3A_14 [1] : vector<256x4096xf32> to vector<256xf32>
    %broadcast_in_dim3A_16 = vector.shape_cast %reduce_max3A_15 : vector<256xf32> to vector<256x1xf32>
    %eq3A = vector.broadcast %broadcast_in_dim3A_16 : vector<256x1xf32> to vector<256x4096xf32>
    %eq3A_17 = arith.cmpf oeq, %div3A_13, %eq3A : vector<256x4096xf32>
    %jit3A = arith.constant 4.096000e+03 : f32
    %broadcast_in_dim3A_18 = vector.broadcast %jit3A : f32 to vector<256x4096xf32>
    %select_n3A = arith.select %eq3A_17, %convert_element_type3A, %broadcast_in_dim3A_18 : vector<256x4096xi1>, vector<256x4096xf32>
    %reduce_min3A = arith.constant dense<0x7F800000> : vector<256xf32>
    %reduce_min3A_19 = vector.multi_reduction <minimumf>, %select_n3A, %reduce_min3A [1] : vector<256x4096xf32> to vector<256xf32>
    %broadcast_in_dim3A_20 = vector.shape_cast %reduce_min3A_19 : vector<256xf32> to vector<256x1xf32>
    %eq3A_21 = vector.broadcast %broadcast_in_dim3A_20 : vector<256x1xf32> to vector<256x4096xf32>
    %eq3A_22 = arith.cmpf oeq, %convert_element_type3A, %eq3A_21 : vector<256x4096xf32>
    %jit3A_23 = arith.constant -1.000000e+00 : f32
    %broadcast_in_dim3A_24 = vector.broadcast %jit3A_23 : f32 to vector<256x4096xf32>
    %select_n3A_25 = arith.select %eq3A_22, %broadcast_in_dim3A_24, %div3A_13 : vector<256x4096xi1>, vector<256x4096xf32>
    %reduce_max3A_26 = arith.constant dense<0xFF800000> : vector<256xf32>
    %reduce_max3A_27 = vector.multi_reduction <maximumf>, %select_n3A_25, %reduce_max3A_26 [1] : vector<256x4096xf32> to vector<256xf32>
    %broadcast_in_dim3A_28 = vector.shape_cast %reduce_max3A_27 : vector<256xf32> to vector<256x1xf32>
    %eq3A_29 = vector.broadcast %broadcast_in_dim3A_28 : vector<256x1xf32> to vector<256x4096xf32>
    %eq3A_30 = arith.cmpf oeq, %select_n3A_25, %eq3A_29 : vector<256x4096xf32>
    %jit3A_31 = arith.constant 4.096000e+03 : f32
    %broadcast_in_dim3A_32 = vector.broadcast %jit3A_31 : f32 to vector<256x4096xf32>
    %select_n3A_33 = arith.select %eq3A_30, %convert_element_type3A, %broadcast_in_dim3A_32 : vector<256x4096xi1>, vector<256x4096xf32>
    %reduce_min3A_34 = arith.constant dense<0x7F800000> : vector<256xf32>
    %reduce_min3A_35 = vector.multi_reduction <minimumf>, %select_n3A_33, %reduce_min3A_34 [1] : vector<256x4096xf32> to vector<256xf32>
    %broadcast_in_dim3A_36 = vector.shape_cast %reduce_min3A_35 : vector<256xf32> to vector<256x1xf32>
    %eq3A_37 = vector.broadcast %broadcast_in_dim3A_36 : vector<256x1xf32> to vector<256x4096xf32>
    %eq3A_38 = arith.cmpf oeq, %convert_element_type3A, %eq3A_37 : vector<256x4096xf32>
    %jit3A_39 = arith.constant -1.000000e+00 : f32
    %broadcast_in_dim3A_40 = vector.broadcast %jit3A_39 : f32 to vector<256x4096xf32>
    %select_n3A_41 = arith.select %eq3A_38, %broadcast_in_dim3A_40, %select_n3A_25 : vector<256x4096xi1>, vector<256x4096xf32>
    %reduce_max3A_42 = arith.constant dense<0xFF800000> : vector<256xf32>
    %reduce_max3A_43 = vector.multi_reduction <maximumf>, %select_n3A_41, %reduce_max3A_42 [1] : vector<256x4096xf32> to vector<256xf32>
    %broadcast_in_dim3A_44 = vector.shape_cast %reduce_max3A_43 : vector<256xf32> to vector<256x1xf32>
    %eq3A_45 = vector.broadcast %broadcast_in_dim3A_44 : vector<256x1xf32> to vector<256x4096xf32>
    %eq3A_46 = arith.cmpf oeq, %select_n3A_41, %eq3A_45 : vector<256x4096xf32>
    %jit3A_47 = arith.constant 4.096000e+03 : f32
    %broadcast_in_dim3A_48 = vector.broadcast %jit3A_47 : f32 to vector<256x4096xf32>
    %select_n3A_49 = arith.select %eq3A_46, %convert_element_type3A, %broadcast_in_dim3A_48 : vector<256x4096xi1>, vector<256x4096xf32>
    %reduce_min3A_50 = arith.constant dense<0x7F800000> : vector<256xf32>
    %reduce_min3A_51 = vector.multi_reduction <minimumf>, %select_n3A_49, %reduce_min3A_50 [1] : vector<256x4096xf32> to vector<256xf32>
    %broadcast_in_dim3A_52 = vector.shape_cast %reduce_min3A_51 : vector<256xf32> to vector<256x1xf32>
    %eq3A_53 = vector.broadcast %broadcast_in_dim3A_52 : vector<256x1xf32> to vector<256x4096xf32>
    %eq3A_54 = arith.cmpf oeq, %convert_element_type3A, %eq3A_53 : vector<256x4096xf32>
    %jit3A_55 = arith.constant -1.000000e+00 : f32
    %broadcast_in_dim3A_56 = vector.broadcast %jit3A_55 : f32 to vector<256x4096xf32>
    %select_n3A_57 = arith.select %eq3A_54, %broadcast_in_dim3A_56, %select_n3A_41 : vector<256x4096xi1>, vector<256x4096xf32>
    %reduce_max3A_58 = arith.constant dense<0xFF800000> : vector<256xf32>
    %reduce_max3A_59 = vector.multi_reduction <maximumf>, %select_n3A_57, %reduce_max3A_58 [1] : vector<256x4096xf32> to vector<256xf32>
    %broadcast_in_dim3A_60 = vector.shape_cast %reduce_max3A_59 : vector<256xf32> to vector<256x1xf32>
    %eq3A_61 = vector.broadcast %broadcast_in_dim3A_60 : vector<256x1xf32> to vector<256x4096xf32>
    %eq3A_62 = arith.cmpf oeq, %select_n3A_57, %eq3A_61 : vector<256x4096xf32>
    %jit3A_63 = arith.constant 4.096000e+03 : f32
    %broadcast_in_dim3A_64 = vector.broadcast %jit3A_63 : f32 to vector<256x4096xf32>
    %select_n3A_65 = arith.select %eq3A_62, %convert_element_type3A, %broadcast_in_dim3A_64 : vector<256x4096xi1>, vector<256x4096xf32>
    %reduce_min3A_66 = arith.constant dense<0x7F800000> : vector<256xf32>
    %reduce_min3A_67 = vector.multi_reduction <minimumf>, %select_n3A_65, %reduce_min3A_66 [1] : vector<256x4096xf32> to vector<256xf32>
    %broadcast_in_dim3A_68 = vector.shape_cast %reduce_min3A_67 : vector<256xf32> to vector<256x1xf32>
    %eq3A_69 = vector.broadcast %broadcast_in_dim3A_68 : vector<256x1xf32> to vector<256x4096xf32>
    %eq3A_70 = arith.cmpf oeq, %convert_element_type3A, %eq3A_69 : vector<256x4096xf32>
    %jit3A_71 = arith.constant -1.000000e+00 : f32
    %broadcast_in_dim3A_72 = vector.broadcast %jit3A_71 : f32 to vector<256x4096xf32>
    %select_n3A_73 = arith.select %eq3A_70, %broadcast_in_dim3A_72, %select_n3A_57 : vector<256x4096xi1>, vector<256x4096xf32>
    %reduce_max3A_74 = arith.constant dense<0xFF800000> : vector<256xf32>
    %reduce_max3A_75 = vector.multi_reduction <maximumf>, %select_n3A_73, %reduce_max3A_74 [1] : vector<256x4096xf32> to vector<256xf32>
    %broadcast_in_dim3A_76 = vector.shape_cast %reduce_max3A_75 : vector<256xf32> to vector<256x1xf32>
    %eq3A_77 = vector.broadcast %broadcast_in_dim3A_76 : vector<256x1xf32> to vector<256x4096xf32>
    %eq3A_78 = arith.cmpf oeq, %select_n3A_73, %eq3A_77 : vector<256x4096xf32>
    %jit3A_79 = arith.constant 4.096000e+03 : f32
    %broadcast_in_dim3A_80 = vector.broadcast %jit3A_79 : f32 to vector<256x4096xf32>
    %select_n3A_81 = arith.select %eq3A_78, %convert_element_type3A, %broadcast_in_dim3A_80 : vector<256x4096xi1>, vector<256x4096xf32>
    %reduce_min3A_82 = arith.constant dense<0x7F800000> : vector<256xf32>
    %reduce_min3A_83 = vector.multi_reduction <minimumf>, %select_n3A_81, %reduce_min3A_82 [1] : vector<256x4096xf32> to vector<256xf32>
    %broadcast_in_dim3A_84 = vector.shape_cast %reduce_min3A_83 : vector<256xf32> to vector<256x1xf32>
    %eq3A_85 = vector.broadcast %broadcast_in_dim3A_84 : vector<256x1xf32> to vector<256x4096xf32>
    %eq3A_86 = arith.cmpf oeq, %convert_element_type3A, %eq3A_85 : vector<256x4096xf32>
    %jit3A_87 = arith.constant -1.000000e+00 : f32
    %broadcast_in_dim3A_88 = vector.broadcast %jit3A_87 : f32 to vector<256x4096xf32>
    %select_n3A_89 = arith.select %eq3A_86, %broadcast_in_dim3A_88, %select_n3A_73 : vector<256x4096xi1>, vector<256x4096xf32>
    %reduce_max3A_90 = arith.constant dense<0xFF800000> : vector<256xf32>
    %reduce_max3A_91 = vector.multi_reduction <maximumf>, %select_n3A_89, %reduce_max3A_90 [1] : vector<256x4096xf32> to vector<256xf32>
    %broadcast_in_dim3A_92 = vector.shape_cast %reduce_max3A_91 : vector<256xf32> to vector<256x1xf32>
    %eq3A_93 = vector.broadcast %broadcast_in_dim3A_92 : vector<256x1xf32> to vector<256x4096xf32>
    %eq3A_94 = arith.cmpf oeq, %select_n3A_89, %eq3A_93 : vector<256x4096xf32>
    %jit3A_95 = arith.constant 4.096000e+03 : f32
    %broadcast_in_dim3A_96 = vector.broadcast %jit3A_95 : f32 to vector<256x4096xf32>
    %select_n3A_97 = arith.select %eq3A_94, %convert_element_type3A, %broadcast_in_dim3A_96 : vector<256x4096xi1>, vector<256x4096xf32>
    %reduce_min3A_98 = arith.constant dense<0x7F800000> : vector<256xf32>
    %reduce_min3A_99 = vector.multi_reduction <minimumf>, %select_n3A_97, %reduce_min3A_98 [1] : vector<256x4096xf32> to vector<256xf32>
    %broadcast_in_dim3A_100 = vector.shape_cast %reduce_min3A_99 : vector<256xf32> to vector<256x1xf32>
    %eq3A_101 = vector.broadcast %broadcast_in_dim3A_100 : vector<256x1xf32> to vector<256x4096xf32>
    %eq3A_102 = arith.cmpf oeq, %convert_element_type3A, %eq3A_101 : vector<256x4096xf32>
    %jit3A_103 = arith.constant -1.000000e+00 : f32
    %broadcast_in_dim3A_104 = vector.broadcast %jit3A_103 : f32 to vector<256x4096xf32>
    %select_n3A_105 = arith.select %eq3A_102, %broadcast_in_dim3A_104, %select_n3A_89 : vector<256x4096xi1>, vector<256x4096xf32>
    %reduce_max3A_106 = arith.constant dense<0xFF800000> : vector<256xf32>
    %reduce_max3A_107 = vector.multi_reduction <maximumf>, %select_n3A_105, %reduce_max3A_106 [1] : vector<256x4096xf32> to vector<256xf32>
    %broadcast_in_dim3A_108 = vector.shape_cast %reduce_max3A_107 : vector<256xf32> to vector<256x1xf32>
    %eq3A_109 = vector.broadcast %broadcast_in_dim3A_108 : vector<256x1xf32> to vector<256x4096xf32>
    %eq3A_110 = arith.cmpf oeq, %select_n3A_105, %eq3A_109 : vector<256x4096xf32>
    %jit3A_111 = arith.constant 4.096000e+03 : f32
    %broadcast_in_dim3A_112 = vector.broadcast %jit3A_111 : f32 to vector<256x4096xf32>
    %select_n3A_113 = arith.select %eq3A_110, %convert_element_type3A, %broadcast_in_dim3A_112 : vector<256x4096xi1>, vector<256x4096xf32>
    %reduce_min3A_114 = arith.constant dense<0x7F800000> : vector<256xf32>
    %reduce_min3A_115 = vector.multi_reduction <minimumf>, %select_n3A_113, %reduce_min3A_114 [1] : vector<256x4096xf32> to vector<256xf32>
    %broadcast_in_dim3A_116 = vector.shape_cast %reduce_min3A_115 : vector<256xf32> to vector<256x1xf32>
    %eq3A_117 = vector.broadcast %broadcast_in_dim3A_116 : vector<256x1xf32> to vector<256x4096xf32>
    %eq3A_118 = arith.cmpf oeq, %convert_element_type3A, %eq3A_117 : vector<256x4096xf32>
    %jit3A_119 = arith.constant -1.000000e+00 : f32
    %broadcast_in_dim3A_120 = vector.broadcast %jit3A_119 : f32 to vector<256x4096xf32>
    %select_n3A_121 = arith.select %eq3A_118, %broadcast_in_dim3A_120, %select_n3A_105 : vector<256x4096xi1>, vector<256x4096xf32>
    %reduce_max3A_122 = arith.constant dense<0xFF800000> : vector<256xf32>
    %reduce_max3A_123 = vector.multi_reduction <maximumf>, %select_n3A_121, %reduce_max3A_122 [1] : vector<256x4096xf32> to vector<256xf32>
    %broadcast_in_dim3A_124 = vector.shape_cast %reduce_max3A_123 : vector<256xf32> to vector<256x1xf32>
    %eq3A_125 = vector.broadcast %broadcast_in_dim3A_124 : vector<256x1xf32> to vector<256x4096xf32>
    %eq3A_126 = arith.cmpf oeq, %select_n3A_121, %eq3A_125 : vector<256x4096xf32>
    %jit3A_127 = arith.constant 4.096000e+03 : f32
    %broadcast_in_dim3A_128 = vector.broadcast %jit3A_127 : f32 to vector<256x4096xf32>
    %select_n3A_129 = arith.select %eq3A_126, %convert_element_type3A, %broadcast_in_dim3A_128 : vector<256x4096xi1>, vector<256x4096xf32>
    %reduce_min3A_130 = arith.constant dense<0x7F800000> : vector<256xf32>
    %reduce_min3A_131 = vector.multi_reduction <minimumf>, %select_n3A_129, %reduce_min3A_130 [1] : vector<256x4096xf32> to vector<256xf32>
    %broadcast_in_dim3A_132 = vector.shape_cast %reduce_min3A_131 : vector<256xf32> to vector<256x1xf32>
    %concatenate3A = tpu.concatenate %broadcast_in_dim3A_16, %broadcast_in_dim3A_28, %broadcast_in_dim3A_44, %broadcast_in_dim3A_60, %broadcast_in_dim3A_76, %broadcast_in_dim3A_92, %broadcast_in_dim3A_108, %broadcast_in_dim3A_124 in 1 : vector<256x1xf32>, vector<256x1xf32>, vector<256x1xf32>, vector<256x1xf32>, vector<256x1xf32>, vector<256x1xf32>, vector<256x1xf32>, vector<256x1xf32> -> vector<256x8xf32>
    %swap3A = arith.constant 0 : index
    %swap3A_133 = arith.constant 0 : index
    %swap3A_134 = vector.load %arg3[%swap3A, %swap3A_133] : memref<256x8xf32, #tpu.memory_space<vmem>>, vector<256x8xf32>
    tpu.vector_store %arg3[%swap3A, %swap3A_133], %concatenate3A {strides = array<i32>} : memref<256x8xf32, #tpu.memory_space<vmem>>, vector<256x8xf32>,
    %concatenate3A_135 = tpu.concatenate %broadcast_in_dim3A_20, %broadcast_in_dim3A_36, %broadcast_in_dim3A_52, %broadcast_in_dim3A_68, %broadcast_in_dim3A_84, %broadcast_in_dim3A_100, %broadcast_in_dim3A_116, %broadcast_in_dim3A_132 in 1 : vector<256x1xf32>, vector<256x1xf32>, vector<256x1xf32>, vector<256x1xf32>, vector<256x1xf32>, vector<256x1xf32>, vector<256x1xf32>, vector<256x1xf32> -> vector<256x8xf32>
    %convert_element_type3A_136 = arith.fptosi %concatenate3A_135 : vector<256x8xf32> to vector<256x8xi32>
    %swap3A_137 = arith.constant 0 : index
    %swap3A_138 = arith.constant 0 : index
    %swap3A_139 = vector.load %arg4[%swap3A_137, %swap3A_138] : memref<256x8xi32, #tpu.memory_space<vmem>>, vector<256x8xi32>
    tpu.vector_store %arg4[%swap3A_137, %swap3A_138], %convert_element_type3A_136 {strides = array<i32>} : memref<256x8xi32, #tpu.memory_space<vmem>>, vector<256x8xi32>,
    return
  }
  func.func @transform_0(%arg0: i32) -> (i32, i32) {
    %c0_i32 = arith.constant 0 : i32
    %c0_i32_0 = arith.constant 0 : i32
    return %arg0, %c0_i32 : i32, i32
  }
  func.func @transform_1(%arg0: i32) -> (i32, i32) {
    %c0_i32 = arith.constant 0 : i32
    %c0_i32_0 = arith.constant 0 : i32
    %c0_i32_1 = arith.constant 0 : i32
    return %c0_i32, %c0_i32_0 : i32, i32
  }
  func.func @transform_2(%arg0: i32) -> (i32, i32) {
    %c0_i32 = arith.constant 0 : i32
    %c0_i32_0 = arith.constant 0 : i32
    return %arg0, %c0_i32 : i32, i32
  }
  func.func @transform_3(%arg0: i32) -> (i32, i32) {
    %c0_i32 = arith.constant 0 : i32
    %c0_i32_0 = arith.constant 0 : i32
    return %arg0, %c0_i32 : i32, i32
  }
}

</mosaic_0001>

<sc_bundles>
// kernel: kernel.4.cloned.1.call-start
scs
__scs_entry_jumppad:
0x0: {  	(pc) =	sbr.rel $0x88, $3  }
0x1: {  	(tag) =	ssettag $0x0;
	lr =	simm.s32 $0x1  }
0x2: {  	[smem:$0x3F9E] =	sst lr;
	_ =	strace $0xD0000000  }
0x3: {  	_ = 	snop  }
0x4: {  	_ = 	snop  }
0x5: {  	_ = 	snop  }
0x6: {  	_ = 	snop  }
0x7: {  	_ = 	snop  }
__scs_overlays_trampoline_lowered:
0x8: {  	[smem:$0x3FAD] =	sst s0  }
0x9: {  	[smem:$0x3FAE] =	sst s1  }
0xa: {  	[smem:$0x3FAF] =	sst s2  }
0xb: {  	[smem:$0x3FB0] =	sst s3  }
0xc: {  	[smem:$0x3FB1] =	sst s4  }
0xd: {  	[smem:$0x3FB2] =	sst s5  }
0xe: {  	[smem:$0x3FB3] =	sst s6  }
0xf: {  	[smem:$0x3FB4] =	sst s7  }
0x10: {  	[smem:$0x3FB5] =	sst s8  }
0x11: {  	[smem:$0x3FB6] =	sst s9;
	s0 =	simm.s32 @!p0 $0x0  }
0x12: {  	s1 =	sld [smem:$0x3F9C];
	s0 =	simm.s32 @p0 $0x1  }
0x13: {  	[smem:$0x3FB7] =	sst s0;
	s0 =	simm.s32 @!p1 $0x0  }
0x14: {  	s2 =	sld [smem:$0x3F9B];
	s0 =	simm.s32 @p1 $0x1  }
0x15: {  	[smem:$0x3FB8] =	sst s0;
	s0 =	simm.s32 @!p2 $0x0  }
0x16: {  	s3 =	sld [smem:$0x3FDB];
	s0 =	simm.s32 @p2 $0x1  }
0x17: {  	s4 =	simm.s32 $0x1BF5;
	[smem:$0x3FBA] =	sst s0  }
0x18: {  	s0 =	sld [smem:$0x3F9D];
	_ =	swait.ge [sflag:s4], $0x0  }
0x19: {  	s7 =	sld [smem:$0x3F9E]  }
0x1a: {  	s8 =	sadd.s32 $0xFFFFE003, lr  }
0x1b: {  	s9 =	sadd.s32 $0xFFFFFEF7, lr;
	s5 =	simm.s32 $0xFFFFFFFF;
	p2 =	slt.u32 s8, $0xFFFFF086  }
0x1c: {  	p1 =	slt.u32 s9, $0xF7A;
	s5 =	simm.s32 @!p2 $0x0  }
0x1d: {  	s5 =	simm.s32 @p1 $0x1;
	p0 =	seq.s32 s7, s2  }
0x1e: {  	s7 =	smul.u32 @!p0 $0xF7A, s2;
	p2 =	seq.s32 @!p0 s5, $0x0  }
0x1f: {  	s9 =	smul.u32 $0xF7A, s1;
	s8 =	simm.s32 @!p0 $0x1BF5;
	p2 =	por !p2, p0  }
0x20: {  	[sflag:s8] =	ssyncset.s32 @!p0 $0xFFFFF086;
	s6 =	sadd.s32 @!p0 s3, s7;
	s7 =	simm.s32 @!p0 $0x108  }
0x21: {  	s3 =	sadd.s32 s3, s9;
	s6 =	sadd.s32 @!p0 $0x88, s6;
	s7 =	simm.s32 @p2 $0x1082  }
0x22: {  	[simem:s7], [sflag:s8] =	dma.local @!p0 [hbm:s6], $0xF7A  }
0x23: {  	s9 =	sor.u32 $0xD0000000, s2;
	s6 =	simm.s32 $0x108;
	_ =	swait.ge @!p0 [sflag:s8], $0x0  }
0x24: {  	s3 =	sadd.s32 $0x88, s3;
	s6 =	simm.s32 @!p1 $0x1082;
	[sflag:s4] =	ssyncset.s32 $0xFFFFF086  }
0x25: {  	[simem:s6], [sflag:s4] =	dma.local [hbm:s3], $0xF7A  }
0x26: {  	[smem:$0x3F9E] =	sst s1;
	(tag) =	ssettag s2;
	_ =	strace s9  }
0x27: {  	s1 =	sld [smem:$0x3FAE]  }
0x28: {  	s2 =	sld [smem:$0x3FAF]  }
0x29: {  	s4 =	sld [smem:$0x3FB1]  }
0x2a: {  	p0 =	seq.s32 s5, $0x0;
	s5 =	sld [smem:$0x3FB2]  }
0x2b: {  	s6 =	sld [smem:$0x3FB3]  }
0x2c: {  	s7 =	sld [smem:$0x3FB4]  }
0x2d: {  	s3 =	simm.s32 $0x108;
	s8 =	sld [smem:$0x3FB5]  }
0x2e: {  	s3 =	simm.s32 @!p0 $0x1082;
	s9 =	sld [smem:$0x3FB6]  }
0x2f: {  	lr =	sadd.s32 s0, s3;
	s0 =	sld [smem:$0x3FAD]  }
0x30: {  	s3 =	sld [smem:$0x3FB0]  }
0x31: {  	[smem:$0x3FB9] =	sst s10  }
0x32: {  	s10 =	sld [smem:$0x3FB7];
	_ =	sdelay $0x3  }
0x33: {  	p0 =	seq.s32 s10, $0x1;
	s10 =	sld [smem:$0x3FB9];
	_ =	sdelay $0x3  }
0x34: {  	[smem:$0x3FB9] =	sst s10  }
0x35: {  	s10 =	sld [smem:$0x3FB8];
	_ =	sdelay $0x3  }
0x36: {  	p1 =	seq.s32 s10, $0x1;
	s10 =	sld [smem:$0x3FB9];
	_ =	sdelay $0x3  }
0x37: {  	[smem:$0x3FB9] =	sst s10  }
0x38: {  	s10 =	sld [smem:$0x3FBA]  }
0x39: {  	_ = 	snop;
	(pc) =	sbr.ind lr, $3  }
0x3a: {  	_ = 	snop  }
0x3b: {  	_ = 	snop  }
0x3c: {  	p2 =	seq.s32 s10, $0x1;
	s10 =	sld [smem:$0x3FB9]  }
0x3d: {  	_ =	shalt  }
0x3e: {  	_ =	shalt  }
0x3f: {  	_ =	shalt  }
0x40: {  	_ =	shalt  }
0x41: {  	_ =	shalt  }
0x42: {  	_ =	shalt  }
0x43: {  	_ =	shalt  }
0x44: {  	_ =	shalt  }
0x45: {  	_ =	shalt  }
0x46: {  	_ =	shalt  }
0x47: {  	_ =	shalt  }
0x48: {  	_ =	shalt  }
0x49: {  	_ =	shalt  }
0x4a: {  	_ =	shalt  }
0x4b: {  	_ =	shalt  }
0x4c: {  	_ =	shalt  }
0x4d: {  	_ =	shalt  }
0x4e: {  	_ =	shalt  }
0x4f: {  	_ =	shalt  }
0x50: {  	_ =	shalt  }
0x51: {  	_ =	shalt  }
0x52: {  	_ =	shalt  }
0x53: {  	_ =	shalt  }
0x54: {  	_ =	shalt  }
0x55: {  	_ =	shalt  }
0x56: {  	_ =	shalt  }
0x57: {  	_ =	shalt  }
0x58: {  	_ =	shalt  }
0x59: {  	_ =	shalt  }
0x5a: {  	_ =	shalt  }
0x5b: {  	_ =	shalt  }
0x5c: {  	_ =	shalt  }
0x5d: {  	_ =	shalt  }
0x5e: {  	_ =	shalt  }
0x5f: {  	_ =	shalt  }
0x60: {  	_ =	shalt  }
0x61: {  	_ =	shalt  }
0x62: {  	_ =	shalt  }
0x63: {  	_ =	shalt  }
0x64: {  	_ =	shalt  }
0x65: {  	_ =	shalt  }
0x66: {  	_ =	shalt  }
0x67: {  	_ =	shalt  }
0x68: {  	_ =	shalt  }
0x69: {  	_ =	shalt  }
0x6a: {  	_ =	shalt  }
0x6b: {  	_ =	shalt  }
0x6c: {  	_ =	shalt  }
0x6d: {  	_ =	shalt  }
0x6e: {  	_ =	shalt  }
0x6f: {  	_ =	shalt  }
0x70: {  	_ =	shalt  }
0x71: {  	_ =	shalt  }
0x72: {  	_ =	shalt  }
0x73: {  	_ =	shalt  }
0x74: {  	_ =	shalt  }
0x75: {  	_ =	shalt  }
0x76: {  	_ =	shalt  }
0x77: {  	_ =	shalt  }
0x78: {  	_ =	shalt  }
0x79: {  	_ =	shalt  }
0x7a: {  	_ =	shalt  }
0x7b: {  	_ =	shalt  }
0x7c: {  	_ =	shalt  }
0x7d: {  	_ =	shalt  }
0x7e: {  	_ =	shalt  }
0x7f: {  	_ =	shalt  }
0x80: {  	_ =	shalt  }
0x81: {  	_ =	shalt  }
0x82: {  	_ =	shalt  }
0x83: {  	_ =	shalt  }
0x84: {  	_ =	shalt  }
0x85: {  	_ =	shalt  }
0x86: {  	_ =	shalt  }
0x87: {  	_ =	shalt  }
.Lfunc_end0:
.L_simem_size_0:
called_computation_lowered:
.L_overlay_start_0:
0x88: {  	s2 =	sld [smem:$0x3FD9]  }
0x89: {  	s3 =	sld [smem:$0x3FFE];
	_ =	sdelay $0x1  }
0x8a: {  	s1 =	srdreg.scid  }
0x8b: {  	s0 =	sand.u32 $0x1, s1  }
0x8c: {  	s14 =	sshll.u32 s0, $0xA;
	s2 =	sadd.s32 s3, s2  }
0x8d: {  	s2 =	sadd.s32 s2, s14  }
0x8e: {  	[smem:$0x3FC5] =	sst s2  }
0x8f: {  	_ = 	snop  }
0x90: {  	s2 =	sld [smem:$0x3FD0];
	_ =	sdelay $0x2  }
0x91: {  	s15 =	simm.s32 $0xA;
	s4 =	simm.s32 $0x10  }
0x92: {  	[smem:s4], [sflag:s15] =	dma.local [hbm:s2], $0x1  }
0x93: {  	_ =	swait.eq [sflag:s15], $0x1  }
0x94: {  	[sflag:s15] =	ssyncset.done $0x0  }
0x95: {  	[sflag:s15] =	ssyncadd.s32 $0xFFFFFFFF  }
0x96: {  	s16 =	sld [smem:$0x11];
	(tm) =	ssettm $0x1  }
0x97: {  	s17 =	sld [smem:$0x3FFB];
	_ =	sdelay $0x3  }
0x98: {  	_ =	strace s17  }
0x99: {  	s3 =	sld [smem:$0x3FFC];
	_ =	sdelay $0x3  }
0x9a: {  	_ =	strace s3  }
0x9b: {  	s3 =	sld [smem:$0x3FFD];
	_ =	sdelay $0x3  }
0x9c: {  	_ =	strace s3  }
0x9d: {  	_ =	strace $0x8FFFFFFF  }
0x9e: {  	s18 =	sld [smem:$0x3FDB];
	_ =	sdelay $0x1  }
0x9f: {  	s19 =	simm.s32 $_scs_section_size  }
0xa0: {  	s5 =	simm.s32 $_size__tile_overlayer_lowered;
	s6 =	simm.s32 $_tile_overlayer_lowered  }
0xa1: {  	s22 =	simm.s32 $0x1BFF;
	s21 =	sshll.u32 s6, $0x1;
	s3 =	sadd.s32 s19, s18  }
0xa2: {  	s7 =	simm.s32 $0x0;
	s20 =	sshll.u32 s5, $0x1;
	s5 =	sadd.s32 s21, s3  }
0xa3: {  	[timem:s7], [sflag:s22] =	dma.local [hbm:s5], s20  }
0xa4: {  	_ =	swait.ge [sflag:s22], s20  }
0xa5: {  	s4 =	ssub.s32 $0x0, s20;
	[sflag:s22] =	ssyncset.done $0x0  }
0xa6: {  	[sflag:s22] =	ssyncadd.s32 s4;
	_ =	sdelay $0x1  }
0xa7: {  	s23 =	simm.s32 $0x1B8B  }
0xa8: {  	_ =	swait.ge [sflag:s23], $0x1  }
0xa9: {  	[sflag:s23] =	ssyncset.done $0x0  }
0xaa: {  	s25 =	simm.s32 $0x1B8E;
	s24 =	sld [smem:$0x3FFE];
	[sflag:s23] =	ssyncadd.s32 $0xFFFFFFFF  }
0xab: {  	s26 =	simm.s32 $execute0_lowered;
	[smem:$0x3FD2] =	sst s25  }
0xac: {  	s5 =	sshll.u32 s26, $0x1;
	_ =	strace $0x80000046;
	[dreg:$0x1] =	wrdreg $0xFFFFFFFF  }
0xad: {  	s28 =	simm.s32 $_size_execute0_lowered;
	s3 =	sadd.s32 s3, s5;
	[dreg:$0x0] =	wrdreg $0x0  }
0xae: {  	s5 =	sshll.u32 s28, $0x1;
	[dreg:$0x2] =	wrdreg s3  }
0xaf: {  	[dreg:$0x3] =	wrdreg s5  }
0xb0: {  	[dreg:$0x4] =	wrdreg $0xC0  }
0xb1: {  	_ =	task [dreg:s7], $0x5FFFF  }
0xb2: {  	[dreg:$0x1] =	wrdreg $0xFFFFFFFF  }
0xb3: {  	[dreg:$0x0] =	wrdreg $0x60  }
0xb4: {  	[dreg:$0x2] =	wrdreg s16  }
0xb5: {  	[dreg:$0x3] =	wrdreg s24  }
0xb6: {  	[dreg:$0x4] =	wrdreg $0x9  }
0xb7: {  	_ =	task.clear_ibuf [dreg:s7], $0x5FFFF;
	_ =	strace $0x90000046  }
0xb8: {  	s29 =	simm.s32 $0x9;
	_ =	strace $0x80000048  }
0xb9: {  	_ =	swait.ge [sflag:s29], $0x1  }
0xba: {  	[sflag:s29] =	ssyncadd.s32 $0xFFFFFFFF  }
0xbb: {  	_ =	strace $0x90000048  }
0xbc: {  	_ =	sfence  }
0xbd: {  	s30 =	sld [smem:$0x0];
	_ =	sdelay $0x2  }
0xbe: {  	s31 =	sshll.u32 s1, $0xD;
	s1 =	sshrl.u32 s1, $0x2  }
0xbf: {  	s3 =	sand.u32 $0x4000, s31;
	s1 =	sadd.s32 s1, s30  }
0xc0: {  	s0 =	sor.u32 s3, s0;
	s1 =	sshll.u32 s1, $0x11  }
0xc1: {  	s0 =	sor.u32 s1, s0  }
0xc2: {  	s0 =	sadd.s32 $0x8F2B, s0  }
0xc3: {  	[sflag:s0] =	ssyncadd.remote.s32 $0x1  }
0xc4: {  	_ =	sfence.sel $0xFFFF  }
0xc5: {  	[dreg:$0x0] =	wrdreg $0xFFFFFFFF;
	(pc) =	sbr.abs _section_cstart, $3  }
0xc6: {  	[dreg:$0x1] =	wrdreg $0xFFFFFFFF  }
0xc7: {  	_ =	task.clear_ibuf [dreg:s7], $0x2FFFF;
	_ =	strace $0x9FFFFFFF  }
0xc8: {  	(tm) =	ssettm $0x7FFFFFFF  }
0xc9: {  	_ =	shalt  }
tec
execute0_lowered:
.L_overlay_start_1:
0x0: {  	(tag) =	ssettag $0x1  }
0x1: {  	s2 =	rddreg [dreg:$0x0]  }
0x2: {  	s0 =	rddreg [dreg:$0x1]  }
0x3: {  	s1 =	srdreg.scid;
	s4 =	stileid.u32  }
0x4: {  	s3 =	simm.s32 $0x0;
	s13 =	simm.s32 $0x400;
	s12 =	simm.s32 $0x2400  }
0x5: {  	s14 =	simm.s32 $0x2C00;
	s15 =	simm.s32 $0x3400;
	s16 =	simm.s32 $0x3C00  }
0x6: {  	s17 =	simm.s32 $0x4400;
	s18 =	simm.s32 $0x4C00;
	s19 =	simm.s32 $0x5400  }
0x7: {  	s20 =	simm.s32 $0x5C00;
	s21 =	simm.s32 $0x6400;
	s22 =	simm.s32 $0x6C00  }
0x8: {  	s23 =	simm.s32 $0x7400;
	s28 =	simm.s32 $0x9400;
	s29 =	simm.s32 $0x9C00  }
0x9: {  	s31 =	simm.s32 $0x2;
	s30 =	simm.s32 $0x9C00;
	s1 =	sand.u32 $0x1, s1  }
0xa: {  	s4 =	sshll.u32 s4, $0xB;
	[smem:$0x7FF] =	sst s3;
	s7 =	sadd.s32 $0x300, s2  }
0xb: {  	s5 =	sshll.u32 s1, $0xA;
	s1 =	ssub.s32 $0x2, s1;
	_ =	strace $0x80000047  }
0xc: {  	s4 =	sor.u32 s5, s4;
	s24 =	sshrl.u32 s1, $0x1;
	s5 =	sadd.s32 $0x100, s2  }
0xd: {  	s8 =	sshrl.u32 s4, $0x3;
	s1 =	ssub.s32 s1, s24;
	s4 =	sor.u32 $0x20, s4  }
0xe: {  	s24 =	simm.s32 $0x7C00;
	s6 =	sadd.s32 s8, s0;
	s9 =	smul.u32 $0x2800, s8  }
0xf: {  	s0 =	sadd.s32 $0x11E00, s0;
	s10 =	smul.u32 $0x500, s8;
	s4 =	sshrl.u32 s4, $0x3  }
0x10: {  	s8 =	sadd.s32 $0x400, s2;
	s1 =	smax.u32 s1, $0x1;
	s25 =	sadd.s32 $0x10E00, s6  }
0x11: {  	s6 =	sadd.s32 $0x200, s2;
	s4 =	smul.u32 $0x500, s4;
	[dreg:$0x8] =	wrdreg s1  }
0x12: {  	s1 =	simm.s32 $0x1400;
	[dreg:$0x5] =	wrdreg s25;
	s9 =	sshrl.u32 s9, $0x3  }
0x13: {  	s26 =	sadd.s32 s10, s0;
	s10 =	simm.s32 $0xC00;
	s25 =	simm.s32 $0x8400  }
0x14: {  	s9 =	sadd.s32 s0, s9;
	[dreg:$0x3] =	wrdreg s26;
	s0 =	sadd.s32 s4, s0  }
0x15: {  	v2 =	vlaneseq.u32;
	s26 =	simm.s32 $0x8C00;
	s11 =	sadd.s32 $0x25800, s9;
	[dreg:$0x4] =	wrdreg s0  }
0x16: {  	vm0 =	vmmov $0xffff;
	v1 =	vshrl.u32 v2, $0x3;
	s4 =	simm.s32 $0x1;
	s9 =	sadd.s32 $0x26C00, s9;
	[dreg:$0x6] =	wrdreg s11  }
0x17: {  	v0 =	vand.u32 $0x7, v2;
	v2 =	vor.u32 $0x8, v2;
	v1 =	vmul.u32 $0x8, v1;
	[dreg:$0x7] =	wrdreg s9;
	s11 =	simm.s32 $0x1C00;
	s9 =	simm.s32 $0x0  }
.LBB2_1:
0x18: {  	[dreg:$0x9] =	wrdreg s9  }
0x19: {  	s0 =	rddreg [dreg:$0x5];
	s9 =	simm.s32 $0x3  }
0x1a: {  	[tilespmem:s3], [sflag:$0x3] =	stream.linear.gather [hbm4b:s0+s3], $0x400, $0x38;
	[tilespmem:$0x14400] =	vst v63  }
0x1b: {  	_ =	swait.ge [sflag:s9], $0x400  }
0x1c: {  	[sflag:s9] =	ssyncset.done $0x0  }
0x1d: {  	[sflag:s9] =	ssyncadd.s32 $0xFFFFFC00  }
0x1e: {  	v3 =	vld [tilespmem:$0x0];
	_ =	sdelay $0x4  }
0x1f: {  	v4 =	vshrl.u32 v3, $0x3  }
0x20: {  	v4 =	vmul.u32 $0x50, v4  }
0x21: {  	v3 =	vand.u32 $0x7, v3  }
0x22: {  	v3 =	vor.u32 v3, v4  }
0x23: {  	v4 =	vperm.xlane v3, v0;
	_ =	sdelay $0x1  }
0x24: {  	v4 =	vadd.s32 v1, v4;
	_ =	sdelay $0x4  }
0x25: {  	[tilespmem:s13], [sflag:$0x1] =	stream.indirect_vreg.gather [hbm4b:s2+s3], $0x80, v4, vm0, $0xb8;
	[tilespmem:$0x14400] =	vst v63  }
0x26: {  	_ = 	snop  }
0x27: {  	[tilespmem:s10], [sflag:$0x1] =	stream.indirect_vreg.gather [hbm4b:s5+s3], $0x80, v4, vm0, $0xb8;
	[tilespmem:$0x14400] =	vst v63  }
0x28: {  	v3 =	vperm.xlane v3, v2  }
0x29: {  	[tilespmem:s1], [sflag:$0x1] =	stream.indirect_vreg.gather [hbm4b:s6+s3], $0x80, v4, vm0, $0xb8;
	[tilespmem:$0x14400] =	vst v63  }
0x2a: {  	v3 =	vadd.s32 v1, v3  }
0x2b: {  	[tilespmem:s11], [sflag:$0x1] =	stream.indirect_vreg.gather [hbm4b:s7+s3], $0x80, v4, vm0, $0xb8;
	[tilespmem:$0x14400] =	vst v63  }
0x2c: {  	_ = 	snop  }
0x2d: {  	[tilespmem:s12], [sflag:$0x1] =	stream.indirect_vreg.gather [hbm4b:s8+s3], $0x80, v4, vm0, $0xb8;
	[tilespmem:$0x14400] =	vst v63  }
0x2e: {  	_ = 	snop  }
0x2f: {  	[tilespmem:s14], [sflag:$0x1] =	stream.indirect_vreg.gather [hbm4b:s2+s3], $0x80, v3, vm0, $0xb8;
	[tilespmem:$0x14400] =	vst v63  }
0x30: {  	_ = 	snop  }
0x31: {  	[tilespmem:s15], [sflag:$0x1] =	stream.indirect_vreg.gather [hbm4b:s5+s3], $0x80, v3, vm0, $0xb8;
	[tilespmem:$0x14400] =	vst v63  }
0x32: {  	_ = 	snop  }
0x33: {  	[tilespmem:s16], [sflag:$0x1] =	stream.indirect_vreg.gather [hbm4b:s6+s3], $0x80, v3, vm0, $0xb8;
	[tilespmem:$0x14400] =	vst v63  }
0x34: {  	_ = 	snop  }
0x35: {  	[tilespmem:s17], [sflag:$0x1] =	stream.indirect_vreg.gather [hbm4b:s7+s3], $0x80, v3, vm0, $0xb8;
	[tilespmem:$0x14400] =	vst v63  }
0x36: {  	_ = 	snop  }
0x37: {  	[tilespmem:s18], [sflag:$0x1] =	stream.indirect_vreg.gather [hbm4b:s8+s3], $0x80, v3, vm0, $0xb8;
	[tilespmem:$0x14400] =	vst v63  }
0x38: {  	v3 =	vld [tilespmem:$0x10];
	_ =	sdelay $0x4  }
0x39: {  	v63 =	vshrl.u32 v3, $0x3  }
0x3a: {  	v4 =	vmul.u32 $0x50, v63  }
0x3b: {  	v3 =	vand.u32 $0x7, v3  }
0x3c: {  	v3 =	vor.u32 v3, v4  }
0x3d: {  	v4 =	vperm.xlane v3, v0;
	_ =	sdelay $0x1  }
0x3e: {  	v4 =	vadd.s32 v1, v4;
	_ =	sdelay $0x4  }
0x3f: {  	[tilespmem:s19], [sflag:$0x1] =	stream.indirect_vreg.gather [hbm4b:s2+s3], $0x80, v4, vm0, $0xb8;
	[tilespmem:$0x14400] =	vst v63  }
0x40: {  	_ = 	snop  }
0x41: {  	[tilespmem:s20], [sflag:$0x1] =	stream.indirect_vreg.gather [hbm4b:s5+s3], $0x80, v4, vm0, $0xb8;
	[tilespmem:$0x14400] =	vst v63  }
0x42: {  	v3 =	vperm.xlane v3, v2  }
0x43: {  	[tilespmem:s21], [sflag:$0x1] =	stream.indirect_vreg.gather [hbm4b:s6+s3], $0x80, v4, vm0, $0xb8;
	[tilespmem:$0x14400] =	vst v63  }
0x44: {  	v3 =	vadd.s32 v1, v3  }
0x45: {  	[tilespmem:s22], [sflag:$0x1] =	stream.indirect_vreg.gather [hbm4b:s7+s3], $0x80, v4, vm0, $0xb8;
	[tilespmem:$0x14400] =	vst v63  }
0x46: {  	_ = 	snop  }
0x47: {  	[tilespmem:s23], [sflag:$0x1] =	stream.indirect_vreg.gather [hbm4b:s8+s3], $0x80, v4, vm0, $0xb8;
	[tilespmem:$0x14400] =	vst v63  }
0x48: {  	s0 =	simm.s32 $0x30  }
0x49: {  	[tilespmem:s24], [sflag:$0x1] =	stream.indirect_vreg.gather [hbm4b:s2+s3], $0x80, v3, vm0, $0xb8;
	[tilespmem:$0x14400] =	vst v63  }
0x4a: {  	s1 =	simm.s32 $0x0;
	s11 =	simm.s32 $0x1400;
	s12 =	simm.s32 $0xA400  }
0x4b: {  	[tilespmem:s25], [sflag:$0x1] =	stream.indirect_vreg.gather [hbm4b:s5+s3], $0x80, v3, vm0, $0xb8;
	[tilespmem:$0x14400] =	vst v63  }
0x4c: {  	s14 =	simm.s32 $0x2400;
	s15 =	simm.s32 $0xB400;
	s16 =	simm.s32 $0x3400  }
0x4d: {  	[tilespmem:s26], [sflag:$0x1] =	stream.indirect_vreg.gather [hbm4b:s6+s3], $0x80, v3, vm0, $0xb8;
	[tilespmem:$0x14400] =	vst v63  }
0x4e: {  	s17 =	simm.s32 $0xBC00;
	s18 =	simm.s32 $0x4400;
	s19 =	simm.s32 $0x4C00  }
0x4f: {  	[tilespmem:s28], [sflag:$0x1] =	stream.indirect_vreg.gather [hbm4b:s7+s3], $0x80, v3, vm0, $0xb8;
	[tilespmem:$0x14400] =	vst v63  }
0x50: {  	s20 =	simm.s32 $0x5400;
	s21 =	simm.s32 $0x5C00;
	s22 =	simm.s32 $0x6400  }
0x51: {  	[tilespmem:s29], [sflag:$0x1] =	stream.indirect_vreg.gather [hbm4b:s8+s3], $0x80, v3, vm0, $0xb8;
	[tilespmem:$0x14400] =	vst v63  }
0x52: {  	s23 =	simm.s32 $0x6C00;
	s24 =	simm.s32 $0x7400;
	_ =	swait.ge [sflag:s4], $0xA000  }
0x53: {  	s25 =	simm.s32 $0x7C00;
	s26 =	simm.s32 $0x8400;
	[sflag:s4] =	ssyncset.done $0x0  }
0x54: {  	s28 =	simm.s32 $0x8C00;
	s29 =	simm.s32 $0x9400;
	[sflag:s4] =	ssyncadd.s32 $0xFFFF6000  }
.LBB2_2:
0x55: {  	s10 =	rddreg [dreg:$0x3]  }
0x56: {  	s9 =	simm.s32 $0x400;
	s10 =	sadd.s32 s1, s10  }
0x57: {  	[hbm4b:s10+s3] =	stream.linear.scatter [tilespmem:s9], [sflag:$0x2], $0xA000, $0x38;
	[tilespmem:$0x14400] =	vst v63  }
0x58: {  	v3 =	vld [tilespmem:s0+$0xFFFFFFF0];
	_ =	sdelay $0x4  }
0x59: {  	v4 =	vshrl.u32 v3, $0x3  }
0x5a: {  	v4 =	vmul.u32 $0x50, v4  }
0x5b: {  	v3 =	vand.u32 $0x7, v3  }
0x5c: {  	v3 =	vor.u32 v3, v4  }
0x5d: {  	v4 =	vperm.xlane v3, v0;
	_ =	sdelay $0x1  }
0x5e: {  	v4 =	vadd.s32 v1, v4;
	_ =	sdelay $0x4  }
0x5f: {  	[tilespmem:s12], [sflag:$0x1] =	stream.indirect_vreg.gather [hbm4b:s2+s3], $0x80, v4, vm0, $0xb8;
	[tilespmem:$0x14400] =	vst v63  }
0x60: {  	s13 =	simm.s32 $0xAC00  }
0x61: {  	[tilespmem:s13], [sflag:$0x1] =	stream.indirect_vreg.gather [hbm4b:s5+s3], $0x80, v4, vm0, $0xb8;
	[tilespmem:$0x14400] =	vst v63  }
0x62: {  	v3 =	vperm.xlane v3, v2  }
0x63: {  	[tilespmem:s15], [sflag:$0x1] =	stream.indirect_vreg.gather [hbm4b:s6+s3], $0x80, v4, vm0, $0xb8;
	[tilespmem:$0x14400] =	vst v63  }
0x64: {  	v3 =	vadd.s32 v1, v3  }
0x65: {  	[tilespmem:s17], [sflag:$0x1] =	stream.indirect_vreg.gather [hbm4b:s7+s3], $0x80, v4, vm0, $0xb8;
	[tilespmem:$0x14400] =	vst v63  }
0x66: {  	s13 =	simm.s32 $0xC400  }
0x67: {  	[tilespmem:s13], [sflag:$0x1] =	stream.indirect_vreg.gather [hbm4b:s8+s3], $0x80, v4, vm0, $0xb8;
	[tilespmem:$0x14400] =	vst v63  }
0x68: {  	s13 =	simm.s32 $0xCC00  }
0x69: {  	[tilespmem:s13], [sflag:$0x1] =	stream.indirect_vreg.gather [hbm4b:s2+s3], $0x80, v3, vm0, $0xb8;
	[tilespmem:$0x14400] =	vst v63  }
0x6a: {  	s13 =	simm.s32 $0xD400  }
0x6b: {  	[tilespmem:s13], [sflag:$0x1] =	stream.indirect_vreg.gather [hbm4b:s5+s3], $0x80, v3, vm0, $0xb8;
	[tilespmem:$0x14400] =	vst v63  }
0x6c: {  	s13 =	simm.s32 $0xDC00  }
0x6d: {  	[tilespmem:s13], [sflag:$0x1] =	stream.indirect_vreg.gather [hbm4b:s6+s3], $0x80, v3, vm0, $0xb8;
	[tilespmem:$0x14400] =	vst v63  }
0x6e: {  	s13 =	simm.s32 $0xE400  }
0x6f: {  	[tilespmem:s13], [sflag:$0x1] =	stream.indirect_vreg.gather [hbm4b:s7+s3], $0x80, v3, vm0, $0xb8;
	[tilespmem:$0x14400] =	vst v63  }
0x70: {  	s13 =	simm.s32 $0xEC00  }
0x71: {  	[tilespmem:s13], [sflag:$0x1] =	stream.indirect_vreg.gather [hbm4b:s8+s3], $0x80, v3, vm0, $0xb8;
	[tilespmem:$0x14400] =	vst v63  }
0x72: {  	v3 =	vld [tilespmem:s0+$0x0];
	_ =	sdelay $0x4  }
0x73: {  	v61 =	vshrl.u32 v3, $0x3  }
0x74: {  	v4 =	vmul.u32 $0x50, v61  }
0x75: {  	v3 =	vand.u32 $0x7, v3  }
0x76: {  	v3 =	vor.u32 v3, v4  }
0x77: {  	v4 =	vperm.xlane v3, v0;
	_ =	sdelay $0x1  }
0x78: {  	v4 =	vadd.s32 v1, v4;
	_ =	sdelay $0x3  }
0x79: {  	s13 =	simm.s32 $0xF400  }
0x7a: {  	[tilespmem:s13], [sflag:$0x1] =	stream.indirect_vreg.gather [hbm4b:s2+s3], $0x80, v4, vm0, $0xb8;
	[tilespmem:$0x14400] =	vst v63  }
0x7b: {  	s13 =	simm.s32 $0xFC00  }
0x7c: {  	[tilespmem:s13], [sflag:$0x1] =	stream.indirect_vreg.gather [hbm4b:s5+s3], $0x80, v4, vm0, $0xb8;
	[tilespmem:$0x14400] =	vst v63  }
0x7d: {  	v3 =	vperm.xlane v3, v2;
	s13 =	simm.s32 $0x10400  }
0x7e: {  	[tilespmem:s13], [sflag:$0x1] =	stream.indirect_vreg.gather [hbm4b:s6+s3], $0x80, v4, vm0, $0xb8;
	[tilespmem:$0x14400] =	vst v63  }
0x7f: {  	v3 =	vadd.s32 v1, v3;
	s13 =	simm.s32 $0x10C00  }
0x80: {  	[tilespmem:s13], [sflag:$0x1] =	stream.indirect_vreg.gather [hbm4b:s7+s3], $0x80, v4, vm0, $0xb8;
	[tilespmem:$0x14400] =	vst v63  }
0x81: {  	s13 =	simm.s32 $0x11400  }
0x82: {  	[tilespmem:s13], [sflag:$0x1] =	stream.indirect_vreg.gather [hbm4b:s8+s3], $0x80, v4, vm0, $0xb8;
	[tilespmem:$0x14400] =	vst v63  }
0x83: {  	s13 =	simm.s32 $0x11C00  }
0x84: {  	[tilespmem:s13], [sflag:$0x1] =	stream.indirect_vreg.gather [hbm4b:s2+s3], $0x80, v3, vm0, $0xb8;
	[tilespmem:$0x14400] =	vst v63  }
0x85: {  	s13 =	simm.s32 $0x12400  }
0x86: {  	[tilespmem:s13], [sflag:$0x1] =	stream.indirect_vreg.gather [hbm4b:s5+s3], $0x80, v3, vm0, $0xb8;
	[tilespmem:$0x14400] =	vst v63  }
0x87: {  	s13 =	simm.s32 $0x12C00  }
0x88: {  	[tilespmem:s13], [sflag:$0x1] =	stream.indirect_vreg.gather [hbm4b:s6+s3], $0x80, v3, vm0, $0xb8;
	[tilespmem:$0x14400] =	vst v63  }
0x89: {  	s13 =	simm.s32 $0x13400  }
0x8a: {  	[tilespmem:s13], [sflag:$0x1] =	stream.indirect_vreg.gather [hbm4b:s7+s3], $0x80, v3, vm0, $0xb8;
	[tilespmem:$0x14400] =	vst v63  }
0x8b: {  	s13 =	simm.s32 $0x13C00  }
0x8c: {  	[tilespmem:s13], [sflag:$0x1] =	stream.indirect_vreg.gather [hbm4b:s8+s3], $0x80, v3, vm0, $0xb8;
	[tilespmem:$0x14400] =	vst v63  }
0x8d: {  	_ =	swait.ge [sflag:s4], $0xA000  }
0x8e: {  	[sflag:s4] =	ssyncset.done $0x0  }
0x8f: {  	[sflag:s4] =	ssyncadd.s32 $0xFFFF6000  }
0x90: {  	_ =	swait.ge [sflag:s31], $0xA000  }
0x91: {  	s13 =	rddreg [dreg:$0x4];
	[sflag:s31] =	ssyncset.done $0x0  }
0x92: {  	[sflag:s31] =	ssyncadd.s32 $0xFFFF6000;
	s10 =	sadd.s32 s1, s13  }
0x93: {  	[hbm4b:s10+s3] =	stream.linear.scatter [tilespmem:s12], [sflag:$0x2], $0xA000, $0x38;
	[tilespmem:$0x14400] =	vst v63  }
0x94: {  	v3 =	vld [tilespmem:s0+$0x10];
	_ =	sdelay $0x4  }
0x95: {  	v62 =	vshrl.u32 v3, $0x3  }
0x96: {  	v4 =	vmul.u32 $0x50, v62  }
0x97: {  	v3 =	vand.u32 $0x7, v3  }
0x98: {  	v3 =	vor.u32 v3, v4  }
0x99: {  	v4 =	vperm.xlane v3, v0;
	_ =	sdelay $0x1  }
0x9a: {  	v4 =	vadd.s32 v1, v4;
	_ =	sdelay $0x4  }
0x9b: {  	[tilespmem:s9], [sflag:$0x1] =	stream.indirect_vreg.gather [hbm4b:s2+s3], $0x80, v4, vm0, $0xb8;
	[tilespmem:$0x14400] =	vst v63  }
0x9c: {  	s10 =	simm.s32 $0xC00  }
0x9d: {  	[tilespmem:s10], [sflag:$0x1] =	stream.indirect_vreg.gather [hbm4b:s5+s3], $0x80, v4, vm0, $0xb8;
	[tilespmem:$0x14400] =	vst v63  }
0x9e: {  	v3 =	vperm.xlane v3, v2  }
0x9f: {  	[tilespmem:s11], [sflag:$0x1] =	stream.indirect_vreg.gather [hbm4b:s6+s3], $0x80, v4, vm0, $0xb8;
	[tilespmem:$0x14400] =	vst v63  }
0xa0: {  	v3 =	vadd.s32 v1, v3;
	s9 =	simm.s32 $0x1C00  }
0xa1: {  	[tilespmem:s9], [sflag:$0x1] =	stream.indirect_vreg.gather [hbm4b:s7+s3], $0x80, v4, vm0, $0xb8;
	[tilespmem:$0x14400] =	vst v63  }
0xa2: {  	_ = 	snop  }
0xa3: {  	[tilespmem:s14], [sflag:$0x1] =	stream.indirect_vreg.gather [hbm4b:s8+s3], $0x80, v4, vm0, $0xb8;
	[tilespmem:$0x14400] =	vst v63  }
0xa4: {  	s9 =	simm.s32 $0x2C00  }
0xa5: {  	[tilespmem:s9], [sflag:$0x1] =	stream.indirect_vreg.gather [hbm4b:s2+s3], $0x80, v3, vm0, $0xb8;
	[tilespmem:$0x14400] =	vst v63  }
0xa6: {  	_ = 	snop  }
0xa7: {  	[tilespmem:s16], [sflag:$0x1] =	stream.indirect_vreg.gather [hbm4b:s5+s3], $0x80, v3, vm0, $0xb8;
	[tilespmem:$0x14400] =	vst v63  }
0xa8: {  	s9 =	simm.s32 $0x3C00  }
0xa9: {  	[tilespmem:s9], [sflag:$0x1] =	stream.indirect_vreg.gather [hbm4b:s6+s3], $0x80, v3, vm0, $0xb8;
	[tilespmem:$0x14400] =	vst v63  }
0xaa: {  	_ = 	snop  }
0xab: {  	[tilespmem:s18], [sflag:$0x1] =	stream.indirect_vreg.gather [hbm4b:s7+s3], $0x80, v3, vm0, $0xb8;
	[tilespmem:$0x14400] =	vst v63  }
0xac: {  	_ = 	snop  }
0xad: {  	[tilespmem:s19], [sflag:$0x1] =	stream.indirect_vreg.gather [hbm4b:s8+s3], $0x80, v3, vm0, $0xb8;
	[tilespmem:$0x14400] =	vst v63  }
0xae: {  	v3 =	vld [tilespmem:s0+$0x20];
	_ =	sdelay $0x4  }
0xaf: {  	v63 =	vshrl.u32 v3, $0x3  }
0xb0: {  	v4 =	vmul.u32 $0x50, v63  }
0xb1: {  	v3 =	vand.u32 $0x7, v3  }
0xb2: {  	v3 =	vor.u32 v3, v4  }
0xb3: {  	v4 =	vperm.xlane v3, v0;
	_ =	sdelay $0x1  }
0xb4: {  	v4 =	vadd.s32 v1, v4;
	_ =	sdelay $0x4  }
0xb5: {  	[tilespmem:s20], [sflag:$0x1] =	stream.indirect_vreg.gather [hbm4b:s2+s3], $0x80, v4, vm0, $0xb8;
	[tilespmem:$0x14400] =	vst v63  }
0xb6: {  	_ = 	snop  }
0xb7: {  	[tilespmem:s21], [sflag:$0x1] =	stream.indirect_vreg.gather [hbm4b:s5+s3], $0x80, v4, vm0, $0xb8;
	[tilespmem:$0x14400] =	vst v63  }
0xb8: {  	v3 =	vperm.xlane v3, v2  }
0xb9: {  	[tilespmem:s22], [sflag:$0x1] =	stream.indirect_vreg.gather [hbm4b:s6+s3], $0x80, v4, vm0, $0xb8;
	[tilespmem:$0x14400] =	vst v63  }
0xba: {  	v3 =	vadd.s32 v1, v3  }
0xbb: {  	[tilespmem:s23], [sflag:$0x1] =	stream.indirect_vreg.gather [hbm4b:s7+s3], $0x80, v4, vm0, $0xb8;
	[tilespmem:$0x14400] =	vst v63  }
0xbc: {  	_ = 	snop  }
0xbd: {  	[tilespmem:s24], [sflag:$0x1] =	stream.indirect_vreg.gather [hbm4b:s8+s3], $0x80, v4, vm0, $0xb8;
	[tilespmem:$0x14400] =	vst v63  }
0xbe: {  	_ = 	snop  }
0xbf: {  	[tilespmem:s25], [sflag:$0x1] =	stream.indirect_vreg.gather [hbm4b:s2+s3], $0x80, v3, vm0, $0xb8;
	[tilespmem:$0x14400] =	vst v63  }
0xc0: {  	_ = 	snop  }
0xc1: {  	[tilespmem:s26], [sflag:$0x1] =	stream.indirect_vreg.gather [hbm4b:s5+s3], $0x80, v3, vm0, $0xb8;
	[tilespmem:$0x14400] =	vst v63  }
0xc2: {  	_ = 	snop  }
0xc3: {  	[tilespmem:s28], [sflag:$0x1] =	stream.indirect_vreg.gather [hbm4b:s6+s3], $0x80, v3, vm0, $0xb8;
	[tilespmem:$0x14400] =	vst v63  }
0xc4: {  	_ = 	snop  }
0xc5: {  	[tilespmem:s29], [sflag:$0x1] =	stream.indirect_vreg.gather [hbm4b:s7+s3], $0x80, v3, vm0, $0xb8;
	[tilespmem:$0x14400] =	vst v63  }
0xc6: {  	_ = 	snop  }
0xc7: {  	[tilespmem:s30], [sflag:$0x1] =	stream.indirect_vreg.gather [hbm4b:s8+s3], $0x80, v3, vm0, $0xb8;
	[tilespmem:$0x14400] =	vst v63  }
0xc8: {  	p0 =	sne.s32 s1, $0x23000;
	_ =	swait.ge [sflag:s4], $0xA000  }
.Ltmp0:
0xc9: {  	[sflag:s4] =	ssyncset.done $0x0;
	(pc) =	sbr.rel @p0 .LBB2_2-.Ltmp0, $4  }
0xca: {  	[sflag:s4] =	ssyncadd.s32 $0xFFFF6000  }
0xcb: {  	_ =	swait.ge [sflag:s31], $0xA000  }
0xcc: {  	s13 =	simm.s32 $0x400;
	[sflag:s31] =	ssyncset.done $0x0  }
0xcd: {  	s1 =	sadd.s32 $0x2800, s1;
	s0 =	sadd.s32 $0x40, s0;
	[sflag:s31] =	ssyncadd.s32 $0xFFFF6000  }
0xce: {  	s0 =	rddreg [dreg:$0x6]  }
0xcf: {  	[hbm4b:s0+s3] =	stream.linear.scatter [tilespmem:s13], [sflag:$0x2], $0xA000, $0x38;
	[tilespmem:$0x14400] =	vst v63  }
0xd0: {  	v3 =	vld [tilespmem:$0x3E0];
	_ =	sdelay $0x4  }
0xd1: {  	v4 =	vshrl.u32 v3, $0x3  }
0xd2: {  	v4 =	vmul.u32 $0x50, v4  }
0xd3: {  	v3 =	vand.u32 $0x7, v3  }
0xd4: {  	v3 =	vor.u32 v3, v4  }
0xd5: {  	v4 =	vperm.xlane v3, v0;
	_ =	sdelay $0x1  }
0xd6: {  	v4 =	vadd.s32 v1, v4;
	_ =	sdelay $0x4  }
0xd7: {  	[tilespmem:s12], [sflag:$0x1] =	stream.indirect_vreg.gather [hbm4b:s2+s3], $0x80, v4, vm0, $0xb8;
	[tilespmem:$0x14400] =	vst v63  }
0xd8: {  	s24 =	simm.s32 $0xAC00  }
0xd9: {  	[tilespmem:s24], [sflag:$0x1] =	stream.indirect_vreg.gather [hbm4b:s5+s3], $0x80, v4, vm0, $0xb8;
	[tilespmem:$0x14400] =	vst v63  }
0xda: {  	v3 =	vperm.xlane v3, v2  }
0xdb: {  	[tilespmem:s15], [sflag:$0x1] =	stream.indirect_vreg.gather [hbm4b:s6+s3], $0x80, v4, vm0, $0xb8;
	[tilespmem:$0x14400] =	vst v63  }
0xdc: {  	v3 =	vadd.s32 v1, v3  }
0xdd: {  	[tilespmem:s17], [sflag:$0x1] =	stream.indirect_vreg.gather [hbm4b:s7+s3], $0x80, v4, vm0, $0xb8;
	[tilespmem:$0x14400] =	vst v63  }
0xde: {  	s25 =	simm.s32 $0xC400  }
0xdf: {  	[tilespmem:s25], [sflag:$0x1] =	stream.indirect_vreg.gather [hbm4b:s8+s3], $0x80, v4, vm0, $0xb8;
	[tilespmem:$0x14400] =	vst v63  }
0xe0: {  	s26 =	simm.s32 $0xCC00  }
0xe1: {  	[tilespmem:s26], [sflag:$0x1] =	stream.indirect_vreg.gather [hbm4b:s2+s3], $0x80, v3, vm0, $0xb8;
	[tilespmem:$0x14400] =	vst v63  }
0xe2: {  	s1 =	simm.s32 $0xD400  }
0xe3: {  	[tilespmem:s1], [sflag:$0x1] =	stream.indirect_vreg.gather [hbm4b:s5+s3], $0x80, v3, vm0, $0xb8;
	[tilespmem:$0x14400] =	vst v63  }
0xe4: {  	s9 =	simm.s32 $0xDC00  }
0xe5: {  	[tilespmem:s9], [sflag:$0x1] =	stream.indirect_vreg.gather [hbm4b:s6+s3], $0x80, v3, vm0, $0xb8;
	[tilespmem:$0x14400] =	vst v63  }
0xe6: {  	s11 =	simm.s32 $0xE400  }
0xe7: {  	[tilespmem:s11], [sflag:$0x1] =	stream.indirect_vreg.gather [hbm4b:s7+s3], $0x80, v3, vm0, $0xb8;
	[tilespmem:$0x14400] =	vst v63  }
0xe8: {  	s14 =	simm.s32 $0xEC00  }
0xe9: {  	[tilespmem:s14], [sflag:$0x1] =	stream.indirect_vreg.gather [hbm4b:s8+s3], $0x80, v3, vm0, $0xb8;
	[tilespmem:$0x14400] =	vst v63  }
0xea: {  	v3 =	vld [tilespmem:$0x3F0];
	_ =	sdelay $0x4  }
0xeb: {  	v63 =	vshrl.u32 v3, $0x3  }
0xec: {  	v4 =	vmul.u32 $0x50, v63  }
0xed: {  	v3 =	vand.u32 $0x7, v3  }
0xee: {  	v3 =	vor.u32 v3, v4  }
0xef: {  	v4 =	vperm.xlane v3, v0;
	_ =	sdelay $0x1  }
0xf0: {  	v4 =	vadd.s32 v1, v4;
	_ =	sdelay $0x3  }
0xf1: {  	s15 =	simm.s32 $0xF400  }
0xf2: {  	[tilespmem:s15], [sflag:$0x1] =	stream.indirect_vreg.gather [hbm4b:s2+s3], $0x80, v4, vm0, $0xb8;
	[tilespmem:$0x14400] =	vst v63  }
0xf3: {  	s16 =	simm.s32 $0xFC00  }
0xf4: {  	[tilespmem:s16], [sflag:$0x1] =	stream.indirect_vreg.gather [hbm4b:s5+s3], $0x80, v4, vm0, $0xb8;
	[tilespmem:$0x14400] =	vst v63  }
0xf5: {  	s17 =	simm.s32 $0x10400;
	v3 =	vperm.xlane v3, v2  }
0xf6: {  	[tilespmem:s17], [sflag:$0x1] =	stream.indirect_vreg.gather [hbm4b:s6+s3], $0x80, v4, vm0, $0xb8;
	[tilespmem:$0x14400] =	vst v63  }
0xf7: {  	s18 =	simm.s32 $0x10C00;
	v3 =	vadd.s32 v1, v3  }
0xf8: {  	[tilespmem:s18], [sflag:$0x1] =	stream.indirect_vreg.gather [hbm4b:s7+s3], $0x80, v4, vm0, $0xb8;
	[tilespmem:$0x14400] =	vst v63  }
0xf9: {  	s19 =	simm.s32 $0x11400  }
0xfa: {  	[tilespmem:s19], [sflag:$0x1] =	stream.indirect_vreg.gather [hbm4b:s8+s3], $0x80, v4, vm0, $0xb8;
	[tilespmem:$0x14400] =	vst v63  }
0xfb: {  	s20 =	simm.s32 $0x11C00  }
0xfc: {  	[tilespmem:s20], [sflag:$0x1] =	stream.indirect_vreg.gather [hbm4b:s2+s3], $0x80, v3, vm0, $0xb8;
	[tilespmem:$0x14400] =	vst v63  }
0xfd: {  	s21 =	simm.s32 $0x12400  }
0xfe: {  	[tilespmem:s21], [sflag:$0x1] =	stream.indirect_vreg.gather [hbm4b:s5+s3], $0x80, v3, vm0, $0xb8;
	[tilespmem:$0x14400] =	vst v63  }
0xff: {  	s22 =	simm.s32 $0x12C00  }
0x100: {  	[tilespmem:s22], [sflag:$0x1] =	stream.indirect_vreg.gather [hbm4b:s6+s3], $0x80, v3, vm0, $0xb8;
	[tilespmem:$0x14400] =	vst v63  }
0x101: {  	s23 =	simm.s32 $0x13400  }
0x102: {  	[tilespmem:s23], [sflag:$0x1] =	stream.indirect_vreg.gather [hbm4b:s7+s3], $0x80, v3, vm0, $0xb8;
	[tilespmem:$0x14400] =	vst v63  }
0x103: {  	s24 =	simm.s32 $0x13C00  }
0x104: {  	[tilespmem:s24], [sflag:$0x1] =	stream.indirect_vreg.gather [hbm4b:s8+s3], $0x80, v3, vm0, $0xb8;
	[tilespmem:$0x14400] =	vst v63  }
0x105: {  	_ =	swait.ge [sflag:s4], $0xA000  }
0x106: {  	[sflag:s4] =	ssyncset.done $0x0  }
0x107: {  	[sflag:s4] =	ssyncadd.s32 $0xFFFF6000  }
0x108: {  	_ =	swait.ge [sflag:s31], $0xA000  }
0x109: {  	[sflag:s31] =	ssyncset.done $0x0  }
0x10a: {  	s25 =	rddreg [dreg:$0x7];
	[sflag:s31] =	ssyncadd.s32 $0xFFFF6000  }
0x10b: {  	[hbm4b:s25+s3] =	stream.linear.scatter [tilespmem:s12], [sflag:$0x2], $0xA000, $0x38;
	[tilespmem:$0x14400] =	vst v63  }
0x10c: {  	s28 =	simm.s32 $0x9400;
	_ =	swait.ge [sflag:s31], $0xA000  }
0x10d: {  	s29 =	simm.s32 $0x9C00;
	s1 =	simm.s32 $0x1400;
	s9 =	rddreg [dreg:$0x9]  }
0x10e: {  	s11 =	simm.s32 $0x1C00;
	s26 =	rddreg [dreg:$0x8];
	s9 =	sadd.s32 $0x1, s9  }
0x10f: {  	s14 =	simm.s32 $0x2C00;
	s15 =	simm.s32 $0x3400;
	p0 =	sne.s32 s9, s26  }
.Ltmp1:
0x110: {  	s16 =	simm.s32 $0x3C00;
	s17 =	simm.s32 $0x4400;
	(pc) =	sbr.rel @p0 .LBB2_1-.Ltmp1, $4  }
0x111: {  	s18 =	simm.s32 $0x4C00;
	s19 =	simm.s32 $0x5400;
	s20 =	simm.s32 $0x5C00  }
0x112: {  	s21 =	simm.s32 $0x6400;
	s22 =	simm.s32 $0x6C00;
	s23 =	simm.s32 $0x7400  }
0x113: {  	s24 =	simm.s32 $0x7C00;
	s12 =	simm.s32 $0x2400;
	[sflag:s31] =	ssyncset.done $0x0  }
0x114: {  	s25 =	simm.s32 $0x8400;
	[sflag:s31] =	ssyncadd.s32 $0xFFFF6000;
	s26 =	simm.s32 $0x8C00  }
0x115: {  	_ =	sfence.sel $0x180000  }
0x116: {  	[bflag:$0x0] =	sbarrier.arrive $0xFFFF  }
0x117: {  	_ =	strace $0x90000047  }
0x118: {  	s0 =	stileid.u32;
	[bflag:$0x2] =	sbarrier.arrive $0xFFFF  }
0x119: {  	p0 =	sne.s32 s0, $0x0;
	s0 =	rddreg [dreg:$0x2]  }
0x11a: {  	s0 =	sadd.s32 @!p0 $0x100000, s0  }
0x11b: {  	[sflag:s0] =	ssyncadd.tile.s32 @!p0 $0x1;
	_ =	shalt  }
.Lfunc_end2:
_tile_overlayer_lowered:
.L_overlay_start_2:
0x11c: {  	(tag) =	ssettag $0x2  }
0x11d: {  	s0 =	rddreg [dreg:$0x0];
	s2 =	stileid.u32  }
0x11e: {  	s1 =	rddreg [dreg:$0x1];
	p0 =	sne.s32 s2, $0x0  }
0x11f: {  	s3 =	rddreg [dreg:$0x2];
	[bflag:$0x3] =	sbarrier.arrive $0xFFFF;
	s2 =	simm.s32 @!p0 $0x1C03  }
0x120: {  	[timem:s3], [sflag:s2] =	dma.local @!p0 [hbm:s0], s1  }
0x121: {  	s0 =	simm.s32 @!p0 $0x3  }
0x122: {  	_ =	swait.ge @!p0 [sflag:s0], s1  }
0x123: {  	s1 =	ssub.s32 @!p0 $0x0, s1;
	[sflag:s0] =	ssyncset.done @!p0 $0x0  }
0x124: {  	[sflag:s0] =	ssyncadd.s32 @!p0 s1  }
0x125: {  	[bflag:$0x3] =	sbarrier.arrive $0xFFFF  }
0x126: {  	_ =	shalt  }

</sc_bundles>
